<compile_context>
chip_gen: v7x
topology: tpu7x:2x2x1
jax: 0.10.2.dev20260603
libtpu: 0.0.44.dev20260713+nightly
codegen_flags: <defaults>
</compile_context>

<pallas_src>
import functools

import jax
import jax.numpy as jnp
from jax import lax
from jax.experimental import pallas as pl
from jax.experimental.pallas import tpu as pltpu
from jax.experimental.pallas import tpu_sc as plsc

_A = 16
_B = 3
_NC = 2
_NS = 16
_NW = _NC * _NS
_GL = 16
_BK = 1024


def _sc_body(lT_hbm, wT_hbm, invt_hbm, mT_hbm, l_v, w_v, invt_v, m_v):
    rw = m_v.shape[1]
    wid = lax.axis_index("s") * _NC + lax.axis_index("c")
    base = wid * rw
    pltpu.sync_copy(lT_hbm.at[:, pl.ds(base, rw)], l_v)
    pltpu.sync_copy(wT_hbm.at[:, pl.ds(base, rw)], w_v)
    pltpu.sync_copy(invt_hbm, invt_v)
    invt = invt_v[...]

    def group(g, carry):
        row0 = g * _GL
        acc = [jnp.zeros((16,), jnp.float32) for _ in range(_A)]
        for b in range(_B):
            e = []
            for a in range(_A):
                lv = l_v[b * _A + a, pl.ds(row0, _GL)]
                e.append(jnp.exp(lv * invt))
            s = e[0]
            for a in range(1, _A):
                s = s + e[a]
            c = w_v[b, pl.ds(row0, _GL)] / s
            for a in range(_A):
                acc[a] = acc[a] + c * e[a]
        for a in range(_A):
            m_v[a, pl.ds(row0, _GL)] = acc[a]
        return carry

    lax.fori_loop(0, rw // _GL, group, 0)
    pltpu.sync_copy(m_v, mT_hbm.at[:, pl.ds(base, rw)])


def _tc_body(invt_ref, mT_ref, atoms_ref, o_ref):
    invt = invt_ref[0, 0]
    a_soft = jnp.tanh(atoms_ref[...] * invt)
    o_ref[...] = lax.dot_general(
        mT_ref[...], a_soft,
        dimension_numbers=(((0,), (0,)), ((), ())),
        preferred_element_type=jnp.float32)


@functools.partial(jax.jit, static_argnames=("interpret",))
def kernel(atoms, combo_weights, combo_indices_logits, temperature, interpret=False):
    k, b, a = combo_indices_logits.shape
    r = atoms.shape[1]
    rw = k // _NW
    invt = 1.0 / jnp.maximum(jnp.asarray(temperature, jnp.float32), 0.1)
    invt16 = jnp.broadcast_to(invt, (16,))
    lT = combo_indices_logits.transpose(1, 2, 0).reshape(b * a, k)
    wT = combo_weights.T

    mesh = plsc.VectorSubcoreMesh(core_axis_name="c", subcore_axis_name="s")
    mT = pl.kernel(
        _sc_body,
        out_type=jax.ShapeDtypeStruct((_A, k), jnp.float32),
        mesh=mesh,
        scratch_types=[
            pltpu.VMEM((b * a, rw), jnp.float32),
            pltpu.VMEM((b, rw), jnp.float32),
            pltpu.VMEM((16,), jnp.float32),
            pltpu.VMEM((_A, rw), jnp.float32),
        ],
        interpret=interpret,
    )(lT, wT, invt16)

    return pl.pallas_call(
        _tc_body,
        grid=(k // _BK,),
        in_specs=[
            pl.BlockSpec((1, 1), lambda i: (0, 0), memory_space=pltpu.SMEM),
            pl.BlockSpec((_A, _BK), lambda i: (0, i)),
            pl.BlockSpec((a, r), lambda i: (0, 0)),
        ],
        out_specs=pl.BlockSpec((_BK, r), lambda i: (i, 0)),
        out_shape=jax.ShapeDtypeStruct((k, r), jnp.float32),
        interpret=interpret,
    )(invt.reshape(1, 1), mT, atoms)

# --- scband reference (transcript-rebuilt; emitter-appended) ---
"""Pipeline reference for scband-codebook-expert-31147102830873 (READ-ONLY COPY).

The authoritative reference and input builder live on the scoring server;
editing this copy changes nothing except your own understanding.
"""

import jax, jax.numpy as jnp
import numpy as np

K = 8192
R = 256
NUM_ATOMS = 16
XOR_ARITY = 3


def setup_inputs(seed: int = 0) -> dict:
    key = jax.random.key(seed)
    k1, k2, k3 = jax.random.split(key, 3)
    atoms = jax.random.normal(k1, (NUM_ATOMS, R), dtype=jnp.float32) * 0.01
    combo_weights = jax.random.uniform(k2, (K, XOR_ARITY), dtype=jnp.float32) * 0.5 + 0.25
    combo_indices_logits = jax.random.normal(k3, (K, XOR_ARITY, NUM_ATOMS), dtype=jnp.float32) * 0.01
    return {
        "atoms": atoms,
        "combo_weights": combo_weights,
        "combo_indices_logits": combo_indices_logits,
        "temperature": 1.0,
    }


def reference(atoms, combo_weights, combo_indices_logits, temperature=1.0):
    # Faithful translation of CodebookExpert.get_codewords_soft (the differentiable path).
    t = jnp.maximum(temperature, 0.1)
    atoms_soft = jnp.tanh(atoms / t)                       # [num_atoms, r]
    combo_soft = jax.nn.softmax(combo_indices_logits / t, axis=-1)  # [k, xor_arity, num_atoms]
    selected = jnp.einsum('kba,ar->kbr', combo_soft, atoms_soft)    # [k, xor_arity, r]
    weighted = selected * combo_weights[..., None]         # [k, xor_arity, r]
    combined = weighted.sum(axis=1)                        # [k, r]
    return combined

if __name__ == "__main__":
    import jax
    _d = setup_inputs()
    print(jax.jit(kernel)(*tuple(_d.values())))

</pallas_src>

<mosaic_0001>
#map = affine_map<(d0, d1) -> (0, 0)>
#map1 = affine_map<(d0, d1) -> (0)>
module attributes {stable_mosaic.version = 14 : i64} {
  func.func @_sc_body(%arg0: i32, %arg1: i32, %arg2: memref<48x8192xf32, #tpu.memory_space<hbm>>, %arg3: memref<3x8192xf32, #tpu.memory_space<hbm>>, %arg4: memref<16xf32, #tpu.memory_space<hbm>>, %arg5: memref<16x8192xf32, #tpu.memory_space<hbm>>, %arg6: memref<48x256xf32, #tpu.memory_space<vmem>>, %arg7: memref<3x256xf32, #tpu.memory_space<vmem>>, %arg8: memref<16xf32, #tpu.memory_space<vmem>>, %arg9: memref<16x256xf32, #tpu.memory_space<vmem>>) attributes {dimension_semantics = [#tpu.dimension_semantics<core_parallel>, #tpu.dimension_semantics<subcore_parallel>], iteration_bounds = array<i64: 2, 16>, scalar_prefetch = 0 : i64, scratch_operands = 4 : i64, tpu.core_type = #tpu.core_type<sc_vector_subcore>, window_params = [{transform_indices = #map}, {transform_indices = #map}, {transform_indices = #map1}, {transform_indices = #map}]} {
    %mul3A = arith.constant 2 : i32
    %mul3A_0 = arith.muli %arg1, %mul3A : i32
    %add3A = arith.addi %mul3A_0, %arg0 : i32
    %mul3A_1 = arith.constant 256 : i32
    %mul3A_2 = arith.muli %add3A, %mul3A_1 : i32
    "tpu.region"() ({
      %run_scoped3A = tpu.sem_alloc : memref<!tpu.dma_semaphore, #tpu.memory_space<semaphore_mem>>
      %dma_start3A = arith.constant 0 : i32
      %dma_start3A_10 = tpu.memref_slice %arg2[%dma_start3A, %mul3A_2] : memref<48x8192xf32, #tpu.memory_space<hbm>> -> memref<48x256xf32, #tpu.memory_space<hbm>>
      %dma_start3A_11 = arith.constant 0 : i32
      %dma_start3A_12 = tpu.memref_slice %arg2[%dma_start3A_11, %mul3A_2] : memref<48x8192xf32, #tpu.memory_space<hbm>> -> memref<48x256xf32, #tpu.memory_space<hbm>>
      tpu.enqueue_dma source(%dma_start3A_12 : memref<48x256xf32, #tpu.memory_space<hbm>>) target(%arg6 : memref<48x256xf32, #tpu.memory_space<vmem>>) target_semaphore(%run_scoped3A : memref<!tpu.dma_semaphore, #tpu.memory_space<semaphore_mem>>)
      %dma_wait3A = arith.constant 0 : i32
      %dma_wait3A_13 = tpu.memref_slice %arg2[%dma_wait3A, %mul3A_2] : memref<48x8192xf32, #tpu.memory_space<hbm>> -> memref<48x256xf32, #tpu.memory_space<hbm>>
      %dma_wait3A_14 = arith.constant 0 : i32
      %dma_wait3A_15 = tpu.memref_slice %arg2[%dma_wait3A_14, %mul3A_2] : memref<48x8192xf32, #tpu.memory_space<hbm>> -> memref<48x256xf32, #tpu.memory_space<hbm>>
      tpu.wait_dma2 semaphore(%run_scoped3A : memref<!tpu.dma_semaphore, #tpu.memory_space<semaphore_mem>>) src(%dma_wait3A_15 : memref<48x256xf32, #tpu.memory_space<hbm>>) dst(%arg6 : memref<48x256xf32, #tpu.memory_space<vmem>>)
      tpu.yield
    }) : () -> ()
    "tpu.region"() ({
      %run_scoped3A = tpu.sem_alloc : memref<!tpu.dma_semaphore, #tpu.memory_space<semaphore_mem>>
      %dma_start3A = arith.constant 0 : i32
      %dma_start3A_10 = tpu.memref_slice %arg3[%dma_start3A, %mul3A_2] : memref<3x8192xf32, #tpu.memory_space<hbm>> -> memref<3x256xf32, #tpu.memory_space<hbm>>
      %dma_start3A_11 = arith.constant 0 : i32
      %dma_start3A_12 = tpu.memref_slice %arg3[%dma_start3A_11, %mul3A_2] : memref<3x8192xf32, #tpu.memory_space<hbm>> -> memref<3x256xf32, #tpu.memory_space<hbm>>
      tpu.enqueue_dma source(%dma_start3A_12 : memref<3x256xf32, #tpu.memory_space<hbm>>) target(%arg7 : memref<3x256xf32, #tpu.memory_space<vmem>>) target_semaphore(%run_scoped3A : memref<!tpu.dma_semaphore, #tpu.memory_space<semaphore_mem>>)
      %dma_wait3A = arith.constant 0 : i32
      %dma_wait3A_13 = tpu.memref_slice %arg3[%dma_wait3A, %mul3A_2] : memref<3x8192xf32, #tpu.memory_space<hbm>> -> memref<3x256xf32, #tpu.memory_space<hbm>>
      %dma_wait3A_14 = arith.constant 0 : i32
      %dma_wait3A_15 = tpu.memref_slice %arg3[%dma_wait3A_14, %mul3A_2] : memref<3x8192xf32, #tpu.memory_space<hbm>> -> memref<3x256xf32, #tpu.memory_space<hbm>>
      tpu.wait_dma2 semaphore(%run_scoped3A : memref<!tpu.dma_semaphore, #tpu.memory_space<semaphore_mem>>) src(%dma_wait3A_15 : memref<3x256xf32, #tpu.memory_space<hbm>>) dst(%arg7 : memref<3x256xf32, #tpu.memory_space<vmem>>)
      tpu.yield
    }) : () -> ()
    "tpu.region"() ({
      %run_scoped3A = tpu.sem_alloc : memref<!tpu.dma_semaphore, #tpu.memory_space<semaphore_mem>>
      tpu.enqueue_dma source(%arg4 : memref<16xf32, #tpu.memory_space<hbm>>) target(%arg8 : memref<16xf32, #tpu.memory_space<vmem>>) target_semaphore(%run_scoped3A : memref<!tpu.dma_semaphore, #tpu.memory_space<semaphore_mem>>)
      tpu.wait_dma2 semaphore(%run_scoped3A : memref<!tpu.dma_semaphore, #tpu.memory_space<semaphore_mem>>) src(%arg4 : memref<16xf32, #tpu.memory_space<hbm>>) dst(%arg8 : memref<16xf32, #tpu.memory_space<vmem>>)
      tpu.yield
    }) : () -> ()
    %get3A = arith.constant 0 : index
    %get3A_3 = tpu.vector_load %arg8[%get3A] {strides = array<i32>} : memref<16xf32, #tpu.memory_space<vmem>>, vector<16xf32>,
    %get3A_4 = vector.shape_cast %get3A_3 : vector<16xf32> to vector<16xf32>
    %scan3A = arith.constant 0 : i32
    %scan3A_5 = arith.constant 0 : i32
    %scan3A_6 = arith.constant 16 : i32
    %scan3A_7 = arith.addi %scan3A_5, %scan3A_6 : i32
    %scan3A_8 = arith.constant 1 : i32
    scf.for %scan3A_10 = %scan3A_5 to %scan3A_7 step %scan3A_8  : i32 {
      %mul3A_11 = arith.constant 16 : i32
      %mul3A_12 = arith.muli %scan3A_10, %mul3A_11 : i32
      %broadcast_in_dim3A = arith.constant 0.000000e+00 : f32
      %broadcast_in_dim3A_13 = vector.broadcast %broadcast_in_dim3A : f32 to vector<16xf32>
      %broadcast_in_dim3A_14 = arith.constant 0.000000e+00 : f32
      %broadcast_in_dim3A_15 = vector.broadcast %broadcast_in_dim3A_14 : f32 to vector<16xf32>
      %broadcast_in_dim3A_16 = arith.constant 0.000000e+00 : f32
      %broadcast_in_dim3A_17 = vector.broadcast %broadcast_in_dim3A_16 : f32 to vector<16xf32>
      %broadcast_in_dim3A_18 = arith.constant 0.000000e+00 : f32
      %broadcast_in_dim3A_19 = vector.broadcast %broadcast_in_dim3A_18 : f32 to vector<16xf32>
      %broadcast_in_dim3A_20 = arith.constant 0.000000e+00 : f32
      %broadcast_in_dim3A_21 = vector.broadcast %broadcast_in_dim3A_20 : f32 to vector<16xf32>
      %broadcast_in_dim3A_22 = arith.constant 0.000000e+00 : f32
      %broadcast_in_dim3A_23 = vector.broadcast %broadcast_in_dim3A_22 : f32 to vector<16xf32>
      %broadcast_in_dim3A_24 = arith.constant 0.000000e+00 : f32
      %broadcast_in_dim3A_25 = vector.broadcast %broadcast_in_dim3A_24 : f32 to vector<16xf32>
      %broadcast_in_dim3A_26 = arith.constant 0.000000e+00 : f32
      %broadcast_in_dim3A_27 = vector.broadcast %broadcast_in_dim3A_26 : f32 to vector<16xf32>
      %broadcast_in_dim3A_28 = arith.constant 0.000000e+00 : f32
      %broadcast_in_dim3A_29 = vector.broadcast %broadcast_in_dim3A_28 : f32 to vector<16xf32>
      %broadcast_in_dim3A_30 = arith.constant 0.000000e+00 : f32
      %broadcast_in_dim3A_31 = vector.broadcast %broadcast_in_dim3A_30 : f32 to vector<16xf32>
      %broadcast_in_dim3A_32 = arith.constant 0.000000e+00 : f32
      %broadcast_in_dim3A_33 = vector.broadcast %broadcast_in_dim3A_32 : f32 to vector<16xf32>
      %broadcast_in_dim3A_34 = arith.constant 0.000000e+00 : f32
      %broadcast_in_dim3A_35 = vector.broadcast %broadcast_in_dim3A_34 : f32 to vector<16xf32>
      %broadcast_in_dim3A_36 = arith.constant 0.000000e+00 : f32
      %broadcast_in_dim3A_37 = vector.broadcast %broadcast_in_dim3A_36 : f32 to vector<16xf32>
      %broadcast_in_dim3A_38 = arith.constant 0.000000e+00 : f32
      %broadcast_in_dim3A_39 = vector.broadcast %broadcast_in_dim3A_38 : f32 to vector<16xf32>
      %broadcast_in_dim3A_40 = arith.constant 0.000000e+00 : f32
      %broadcast_in_dim3A_41 = vector.broadcast %broadcast_in_dim3A_40 : f32 to vector<16xf32>
      %broadcast_in_dim3A_42 = arith.constant 0.000000e+00 : f32
      %broadcast_in_dim3A_43 = vector.broadcast %broadcast_in_dim3A_42 : f32 to vector<16xf32>
      %get3A_44 = arith.constant 0 : i32
      %get3A_45 = arith.index_cast %get3A_44 : i32 to index
      %get3A_46 = arith.index_cast %mul3A_12 : i32 to index
      %get3A_47 = tpu.vector_load %arg6[%get3A_45, %get3A_46] {strides = array<i32>} : memref<48x256xf32, #tpu.memory_space<vmem>>, vector<1x16xf32>,
      %get3A_48 = vector.shape_cast %get3A_47 : vector<1x16xf32> to vector<16xf32>
      %mul3A_49 = arith.mulf %get3A_48, %get3A_4 : vector<16xf32>
      %exp3A = math.exp %mul3A_49 : vector<16xf32>
      %get3A_50 = arith.constant 1 : i32
      %get3A_51 = arith.index_cast %get3A_50 : i32 to index
      %get3A_52 = arith.index_cast %mul3A_12 : i32 to index
      %get3A_53 = tpu.vector_load %arg6[%get3A_51, %get3A_52] {strides = array<i32>} : memref<48x256xf32, #tpu.memory_space<vmem>>, vector<1x16xf32>,
      %get3A_54 = vector.shape_cast %get3A_53 : vector<1x16xf32> to vector<16xf32>
      %mul3A_55 = arith.mulf %get3A_54, %get3A_4 : vector<16xf32>
      %exp3A_56 = math.exp %mul3A_55 : vector<16xf32>
      %get3A_57 = arith.constant 2 : i32
      %get3A_58 = arith.index_cast %get3A_57 : i32 to index
      %get3A_59 = arith.index_cast %mul3A_12 : i32 to index
      %get3A_60 = tpu.vector_load %arg6[%get3A_58, %get3A_59] {strides = array<i32>} : memref<48x256xf32, #tpu.memory_space<vmem>>, vector<1x16xf32>,
      %get3A_61 = vector.shape_cast %get3A_60 : vector<1x16xf32> to vector<16xf32>
      %mul3A_62 = arith.mulf %get3A_61, %get3A_4 : vector<16xf32>
      %exp3A_63 = math.exp %mul3A_62 : vector<16xf32>
      %get3A_64 = arith.constant 3 : i32
      %get3A_65 = arith.index_cast %get3A_64 : i32 to index
      %get3A_66 = arith.index_cast %mul3A_12 : i32 to index
      %get3A_67 = tpu.vector_load %arg6[%get3A_65, %get3A_66] {strides = array<i32>} : memref<48x256xf32, #tpu.memory_space<vmem>>, vector<1x16xf32>,
      %get3A_68 = vector.shape_cast %get3A_67 : vector<1x16xf32> to vector<16xf32>
      %mul3A_69 = arith.mulf %get3A_68, %get3A_4 : vector<16xf32>
      %exp3A_70 = math.exp %mul3A_69 : vector<16xf32>
      %get3A_71 = arith.constant 4 : i32
      %get3A_72 = arith.index_cast %get3A_71 : i32 to index
      %get3A_73 = arith.index_cast %mul3A_12 : i32 to index
      %get3A_74 = tpu.vector_load %arg6[%get3A_72, %get3A_73] {strides = array<i32>} : memref<48x256xf32, #tpu.memory_space<vmem>>, vector<1x16xf32>,
      %get3A_75 = vector.shape_cast %get3A_74 : vector<1x16xf32> to vector<16xf32>
      %mul3A_76 = arith.mulf %get3A_75, %get3A_4 : vector<16xf32>
      %exp3A_77 = math.exp %mul3A_76 : vector<16xf32>
      %get3A_78 = arith.constant 5 : i32
      %get3A_79 = arith.index_cast %get3A_78 : i32 to index
      %get3A_80 = arith.index_cast %mul3A_12 : i32 to index
      %get3A_81 = tpu.vector_load %arg6[%get3A_79, %get3A_80] {strides = array<i32>} : memref<48x256xf32, #tpu.memory_space<vmem>>, vector<1x16xf32>,
      %get3A_82 = vector.shape_cast %get3A_81 : vector<1x16xf32> to vector<16xf32>
      %mul3A_83 = arith.mulf %get3A_82, %get3A_4 : vector<16xf32>
      %exp3A_84 = math.exp %mul3A_83 : vector<16xf32>
      %get3A_85 = arith.constant 6 : i32
      %get3A_86 = arith.index_cast %get3A_85 : i32 to index
      %get3A_87 = arith.index_cast %mul3A_12 : i32 to index
      %get3A_88 = tpu.vector_load %arg6[%get3A_86, %get3A_87] {strides = array<i32>} : memref<48x256xf32, #tpu.memory_space<vmem>>, vector<1x16xf32>,
      %get3A_89 = vector.shape_cast %get3A_88 : vector<1x16xf32> to vector<16xf32>
      %mul3A_90 = arith.mulf %get3A_89, %get3A_4 : vector<16xf32>
      %exp3A_91 = math.exp %mul3A_90 : vector<16xf32>
      %get3A_92 = arith.constant 7 : i32
      %get3A_93 = arith.index_cast %get3A_92 : i32 to index
      %get3A_94 = arith.index_cast %mul3A_12 : i32 to index
      %get3A_95 = tpu.vector_load %arg6[%get3A_93, %get3A_94] {strides = array<i32>} : memref<48x256xf32, #tpu.memory_space<vmem>>, vector<1x16xf32>,
      %get3A_96 = vector.shape_cast %get3A_95 : vector<1x16xf32> to vector<16xf32>
      %mul3A_97 = arith.mulf %get3A_96, %get3A_4 : vector<16xf32>
      %exp3A_98 = math.exp %mul3A_97 : vector<16xf32>
      %get3A_99 = arith.constant 8 : i32
      %get3A_100 = arith.index_cast %get3A_99 : i32 to index
      %get3A_101 = arith.index_cast %mul3A_12 : i32 to index
      %get3A_102 = tpu.vector_load %arg6[%get3A_100, %get3A_101] {strides = array<i32>} : memref<48x256xf32, #tpu.memory_space<vmem>>, vector<1x16xf32>,
      %get3A_103 = vector.shape_cast %get3A_102 : vector<1x16xf32> to vector<16xf32>
      %mul3A_104 = arith.mulf %get3A_103, %get3A_4 : vector<16xf32>
      %exp3A_105 = math.exp %mul3A_104 : vector<16xf32>
      %get3A_106 = arith.constant 9 : i32
      %get3A_107 = arith.index_cast %get3A_106 : i32 to index
      %get3A_108 = arith.index_cast %mul3A_12 : i32 to index
      %get3A_109 = tpu.vector_load %arg6[%get3A_107, %get3A_108] {strides = array<i32>} : memref<48x256xf32, #tpu.memory_space<vmem>>, vector<1x16xf32>,
      %get3A_110 = vector.shape_cast %get3A_109 : vector<1x16xf32> to vector<16xf32>
      %mul3A_111 = arith.mulf %get3A_110, %get3A_4 : vector<16xf32>
      %exp3A_112 = math.exp %mul3A_111 : vector<16xf32>
      %get3A_113 = arith.constant 10 : i32
      %get3A_114 = arith.index_cast %get3A_113 : i32 to index
      %get3A_115 = arith.index_cast %mul3A_12 : i32 to index
      %get3A_116 = tpu.vector_load %arg6[%get3A_114, %get3A_115] {strides = array<i32>} : memref<48x256xf32, #tpu.memory_space<vmem>>, vector<1x16xf32>,
      %get3A_117 = vector.shape_cast %get3A_116 : vector<1x16xf32> to vector<16xf32>
      %mul3A_118 = arith.mulf %get3A_117, %get3A_4 : vector<16xf32>
      %exp3A_119 = math.exp %mul3A_118 : vector<16xf32>
      %get3A_120 = arith.constant 11 : i32
      %get3A_121 = arith.index_cast %get3A_120 : i32 to index
      %get3A_122 = arith.index_cast %mul3A_12 : i32 to index
      %get3A_123 = tpu.vector_load %arg6[%get3A_121, %get3A_122] {strides = array<i32>} : memref<48x256xf32, #tpu.memory_space<vmem>>, vector<1x16xf32>,
      %get3A_124 = vector.shape_cast %get3A_123 : vector<1x16xf32> to vector<16xf32>
      %mul3A_125 = arith.mulf %get3A_124, %get3A_4 : vector<16xf32>
      %exp3A_126 = math.exp %mul3A_125 : vector<16xf32>
      %get3A_127 = arith.constant 12 : i32
      %get3A_128 = arith.index_cast %get3A_127 : i32 to index
      %get3A_129 = arith.index_cast %mul3A_12 : i32 to index
      %get3A_130 = tpu.vector_load %arg6[%get3A_128, %get3A_129] {strides = array<i32>} : memref<48x256xf32, #tpu.memory_space<vmem>>, vector<1x16xf32>,
      %get3A_131 = vector.shape_cast %get3A_130 : vector<1x16xf32> to vector<16xf32>
      %mul3A_132 = arith.mulf %get3A_131, %get3A_4 : vector<16xf32>
      %exp3A_133 = math.exp %mul3A_132 : vector<16xf32>
      %get3A_134 = arith.constant 13 : i32
      %get3A_135 = arith.index_cast %get3A_134 : i32 to index
      %get3A_136 = arith.index_cast %mul3A_12 : i32 to index
      %get3A_137 = tpu.vector_load %arg6[%get3A_135, %get3A_136] {strides = array<i32>} : memref<48x256xf32, #tpu.memory_space<vmem>>, vector<1x16xf32>,
      %get3A_138 = vector.shape_cast %get3A_137 : vector<1x16xf32> to vector<16xf32>
      %mul3A_139 = arith.mulf %get3A_138, %get3A_4 : vector<16xf32>
      %exp3A_140 = math.exp %mul3A_139 : vector<16xf32>
      %get3A_141 = arith.constant 14 : i32
      %get3A_142 = arith.index_cast %get3A_141 : i32 to index
      %get3A_143 = arith.index_cast %mul3A_12 : i32 to index
      %get3A_144 = tpu.vector_load %arg6[%get3A_142, %get3A_143] {strides = array<i32>} : memref<48x256xf32, #tpu.memory_space<vmem>>, vector<1x16xf32>,
      %get3A_145 = vector.shape_cast %get3A_144 : vector<1x16xf32> to vector<16xf32>
      %mul3A_146 = arith.mulf %get3A_145, %get3A_4 : vector<16xf32>
      %exp3A_147 = math.exp %mul3A_146 : vector<16xf32>
      %get3A_148 = arith.constant 15 : i32
      %get3A_149 = arith.index_cast %get3A_148 : i32 to index
      %get3A_150 = arith.index_cast %mul3A_12 : i32 to index
      %get3A_151 = tpu.vector_load %arg6[%get3A_149, %get3A_150] {strides = array<i32>} : memref<48x256xf32, #tpu.memory_space<vmem>>, vector<1x16xf32>,
      %get3A_152 = vector.shape_cast %get3A_151 : vector<1x16xf32> to vector<16xf32>
      %mul3A_153 = arith.mulf %get3A_152, %get3A_4 : vector<16xf32>
      %exp3A_154 = math.exp %mul3A_153 : vector<16xf32>
      %add3A_155 = arith.addf %exp3A, %exp3A_56 : vector<16xf32>
      %add3A_156 = arith.addf %add3A_155, %exp3A_63 : vector<16xf32>
      %add3A_157 = arith.addf %add3A_156, %exp3A_70 : vector<16xf32>
      %add3A_158 = arith.addf %add3A_157, %exp3A_77 : vector<16xf32>
      %add3A_159 = arith.addf %add3A_158, %exp3A_84 : vector<16xf32>
      %add3A_160 = arith.addf %add3A_159, %exp3A_91 : vector<16xf32>
      %add3A_161 = arith.addf %add3A_160, %exp3A_98 : vector<16xf32>
      %add3A_162 = arith.addf %add3A_161, %exp3A_105 : vector<16xf32>
      %add3A_163 = arith.addf %add3A_162, %exp3A_112 : vector<16xf32>
      %add3A_164 = arith.addf %add3A_163, %exp3A_119 : vector<16xf32>
      %add3A_165 = arith.addf %add3A_164, %exp3A_126 : vector<16xf32>
      %add3A_166 = arith.addf %add3A_165, %exp3A_133 : vector<16xf32>
      %add3A_167 = arith.addf %add3A_166, %exp3A_140 : vector<16xf32>
      %add3A_168 = arith.addf %add3A_167, %exp3A_147 : vector<16xf32>
      %add3A_169 = arith.addf %add3A_168, %exp3A_154 : vector<16xf32>
      %get3A_170 = arith.constant 0 : i32
      %get3A_171 = arith.index_cast %get3A_170 : i32 to index
      %get3A_172 = arith.index_cast %mul3A_12 : i32 to index
      %get3A_173 = tpu.vector_load %arg7[%get3A_171, %get3A_172] {strides = array<i32>} : memref<3x256xf32, #tpu.memory_space<vmem>>, vector<1x16xf32>,
      %get3A_174 = vector.shape_cast %get3A_173 : vector<1x16xf32> to vector<16xf32>
      %div3A = arith.divf %get3A_174, %add3A_169 : vector<16xf32>
      %mul3A_175 = arith.mulf %div3A, %exp3A : vector<16xf32>
      %add3A_176 = arith.addf %broadcast_in_dim3A_13, %mul3A_175 : vector<16xf32>
      %mul3A_177 = arith.mulf %div3A, %exp3A_56 : vector<16xf32>
      %add3A_178 = arith.addf %broadcast_in_dim3A_15, %mul3A_177 : vector<16xf32>
      %mul3A_179 = arith.mulf %div3A, %exp3A_63 : vector<16xf32>
      %add3A_180 = arith.addf %broadcast_in_dim3A_17, %mul3A_179 : vector<16xf32>
      %mul3A_181 = arith.mulf %div3A, %exp3A_70 : vector<16xf32>
      %add3A_182 = arith.addf %broadcast_in_dim3A_19, %mul3A_181 : vector<16xf32>
      %mul3A_183 = arith.mulf %div3A, %exp3A_77 : vector<16xf32>
      %add3A_184 = arith.addf %broadcast_in_dim3A_21, %mul3A_183 : vector<16xf32>
      %mul3A_185 = arith.mulf %div3A, %exp3A_84 : vector<16xf32>
      %add3A_186 = arith.addf %broadcast_in_dim3A_23, %mul3A_185 : vector<16xf32>
      %mul3A_187 = arith.mulf %div3A, %exp3A_91 : vector<16xf32>
      %add3A_188 = arith.addf %broadcast_in_dim3A_25, %mul3A_187 : vector<16xf32>
      %mul3A_189 = arith.mulf %div3A, %exp3A_98 : vector<16xf32>
      %add3A_190 = arith.addf %broadcast_in_dim3A_27, %mul3A_189 : vector<16xf32>
      %mul3A_191 = arith.mulf %div3A, %exp3A_105 : vector<16xf32>
      %add3A_192 = arith.addf %broadcast_in_dim3A_29, %mul3A_191 : vector<16xf32>
      %mul3A_193 = arith.mulf %div3A, %exp3A_112 : vector<16xf32>
      %add3A_194 = arith.addf %broadcast_in_dim3A_31, %mul3A_193 : vector<16xf32>
      %mul3A_195 = arith.mulf %div3A, %exp3A_119 : vector<16xf32>
      %add3A_196 = arith.addf %broadcast_in_dim3A_33, %mul3A_195 : vector<16xf32>
      %mul3A_197 = arith.mulf %div3A, %exp3A_126 : vector<16xf32>
      %add3A_198 = arith.addf %broadcast_in_dim3A_35, %mul3A_197 : vector<16xf32>
      %mul3A_199 = arith.mulf %div3A, %exp3A_133 : vector<16xf32>
      %add3A_200 = arith.addf %broadcast_in_dim3A_37, %mul3A_199 : vector<16xf32>
      %mul3A_201 = arith.mulf %div3A, %exp3A_140 : vector<16xf32>
      %add3A_202 = arith.addf %broadcast_in_dim3A_39, %mul3A_201 : vector<16xf32>
      %mul3A_203 = arith.mulf %div3A, %exp3A_147 : vector<16xf32>
      %add3A_204 = arith.addf %broadcast_in_dim3A_41, %mul3A_203 : vector<16xf32>
      %mul3A_205 = arith.mulf %div3A, %exp3A_154 : vector<16xf32>
      %add3A_206 = arith.addf %broadcast_in_dim3A_43, %mul3A_205 : vector<16xf32>
      %get3A_207 = arith.constant 16 : i32
      %get3A_208 = arith.index_cast %get3A_207 : i32 to index
      %get3A_209 = arith.index_cast %mul3A_12 : i32 to index
      %get3A_210 = tpu.vector_load %arg6[%get3A_208, %get3A_209] {strides = array<i32>} : memref<48x256xf32, #tpu.memory_space<vmem>>, vector<1x16xf32>,
      %get3A_211 = vector.shape_cast %get3A_210 : vector<1x16xf32> to vector<16xf32>
      %mul3A_212 = arith.mulf %get3A_211, %get3A_4 : vector<16xf32>
      %exp3A_213 = math.exp %mul3A_212 : vector<16xf32>
      %get3A_214 = arith.constant 17 : i32
      %get3A_215 = arith.index_cast %get3A_214 : i32 to index
      %get3A_216 = arith.index_cast %mul3A_12 : i32 to index
      %get3A_217 = tpu.vector_load %arg6[%get3A_215, %get3A_216] {strides = array<i32>} : memref<48x256xf32, #tpu.memory_space<vmem>>, vector<1x16xf32>,
      %get3A_218 = vector.shape_cast %get3A_217 : vector<1x16xf32> to vector<16xf32>
      %mul3A_219 = arith.mulf %get3A_218, %get3A_4 : vector<16xf32>
      %exp3A_220 = math.exp %mul3A_219 : vector<16xf32>
      %get3A_221 = arith.constant 18 : i32
      %get3A_222 = arith.index_cast %get3A_221 : i32 to index
      %get3A_223 = arith.index_cast %mul3A_12 : i32 to index
      %get3A_224 = tpu.vector_load %arg6[%get3A_222, %get3A_223] {strides = array<i32>} : memref<48x256xf32, #tpu.memory_space<vmem>>, vector<1x16xf32>,
      %get3A_225 = vector.shape_cast %get3A_224 : vector<1x16xf32> to vector<16xf32>
      %mul3A_226 = arith.mulf %get3A_225, %get3A_4 : vector<16xf32>
      %exp3A_227 = math.exp %mul3A_226 : vector<16xf32>
      %get3A_228 = arith.constant 19 : i32
      %get3A_229 = arith.index_cast %get3A_228 : i32 to index
      %get3A_230 = arith.index_cast %mul3A_12 : i32 to index
      %get3A_231 = tpu.vector_load %arg6[%get3A_229, %get3A_230] {strides = array<i32>} : memref<48x256xf32, #tpu.memory_space<vmem>>, vector<1x16xf32>,
      %get3A_232 = vector.shape_cast %get3A_231 : vector<1x16xf32> to vector<16xf32>
      %mul3A_233 = arith.mulf %get3A_232, %get3A_4 : vector<16xf32>
      %exp3A_234 = math.exp %mul3A_233 : vector<16xf32>
      %get3A_235 = arith.constant 20 : i32
      %get3A_236 = arith.index_cast %get3A_235 : i32 to index
      %get3A_237 = arith.index_cast %mul3A_12 : i32 to index
      %get3A_238 = tpu.vector_load %arg6[%get3A_236, %get3A_237] {strides = array<i32>} : memref<48x256xf32, #tpu.memory_space<vmem>>, vector<1x16xf32>,
      %get3A_239 = vector.shape_cast %get3A_238 : vector<1x16xf32> to vector<16xf32>
      %mul3A_240 = arith.mulf %get3A_239, %get3A_4 : vector<16xf32>
      %exp3A_241 = math.exp %mul3A_240 : vector<16xf32>
      %get3A_242 = arith.constant 21 : i32
      %get3A_243 = arith.index_cast %get3A_242 : i32 to index
      %get3A_244 = arith.index_cast %mul3A_12 : i32 to index
      %get3A_245 = tpu.vector_load %arg6[%get3A_243, %get3A_244] {strides = array<i32>} : memref<48x256xf32, #tpu.memory_space<vmem>>, vector<1x16xf32>,
      %get3A_246 = vector.shape_cast %get3A_245 : vector<1x16xf32> to vector<16xf32>
      %mul3A_247 = arith.mulf %get3A_246, %get3A_4 : vector<16xf32>
      %exp3A_248 = math.exp %mul3A_247 : vector<16xf32>
      %get3A_249 = arith.constant 22 : i32
      %get3A_250 = arith.index_cast %get3A_249 : i32 to index
      %get3A_251 = arith.index_cast %mul3A_12 : i32 to index
      %get3A_252 = tpu.vector_load %arg6[%get3A_250, %get3A_251] {strides = array<i32>} : memref<48x256xf32, #tpu.memory_space<vmem>>, vector<1x16xf32>,
      %get3A_253 = vector.shape_cast %get3A_252 : vector<1x16xf32> to vector<16xf32>
      %mul3A_254 = arith.mulf %get3A_253, %get3A_4 : vector<16xf32>
      %exp3A_255 = math.exp %mul3A_254 : vector<16xf32>
      %get3A_256 = arith.constant 23 : i32
      %get3A_257 = arith.index_cast %get3A_256 : i32 to index
      %get3A_258 = arith.index_cast %mul3A_12 : i32 to index
      %get3A_259 = tpu.vector_load %arg6[%get3A_257, %get3A_258] {strides = array<i32>} : memref<48x256xf32, #tpu.memory_space<vmem>>, vector<1x16xf32>,
      %get3A_260 = vector.shape_cast %get3A_259 : vector<1x16xf32> to vector<16xf32>
      %mul3A_261 = arith.mulf %get3A_260, %get3A_4 : vector<16xf32>
      %exp3A_262 = math.exp %mul3A_261 : vector<16xf32>
      %get3A_263 = arith.constant 24 : i32
      %get3A_264 = arith.index_cast %get3A_263 : i32 to index
      %get3A_265 = arith.index_cast %mul3A_12 : i32 to index
      %get3A_266 = tpu.vector_load %arg6[%get3A_264, %get3A_265] {strides = array<i32>} : memref<48x256xf32, #tpu.memory_space<vmem>>, vector<1x16xf32>,
      %get3A_267 = vector.shape_cast %get3A_266 : vector<1x16xf32> to vector<16xf32>
      %mul3A_268 = arith.mulf %get3A_267, %get3A_4 : vector<16xf32>
      %exp3A_269 = math.exp %mul3A_268 : vector<16xf32>
      %get3A_270 = arith.constant 25 : i32
      %get3A_271 = arith.index_cast %get3A_270 : i32 to index
      %get3A_272 = arith.index_cast %mul3A_12 : i32 to index
      %get3A_273 = tpu.vector_load %arg6[%get3A_271, %get3A_272] {strides = array<i32>} : memref<48x256xf32, #tpu.memory_space<vmem>>, vector<1x16xf32>,
      %get3A_274 = vector.shape_cast %get3A_273 : vector<1x16xf32> to vector<16xf32>
      %mul3A_275 = arith.mulf %get3A_274, %get3A_4 : vector<16xf32>
      %exp3A_276 = math.exp %mul3A_275 : vector<16xf32>
      %get3A_277 = arith.constant 26 : i32
      %get3A_278 = arith.index_cast %get3A_277 : i32 to index
      %get3A_279 = arith.index_cast %mul3A_12 : i32 to index
      %get3A_280 = tpu.vector_load %arg6[%get3A_278, %get3A_279] {strides = array<i32>} : memref<48x256xf32, #tpu.memory_space<vmem>>, vector<1x16xf32>,
      %get3A_281 = vector.shape_cast %get3A_280 : vector<1x16xf32> to vector<16xf32>
      %mul3A_282 = arith.mulf %get3A_281, %get3A_4 : vector<16xf32>
      %exp3A_283 = math.exp %mul3A_282 : vector<16xf32>
      %get3A_284 = arith.constant 27 : i32
      %get3A_285 = arith.index_cast %get3A_284 : i32 to index
      %get3A_286 = arith.index_cast %mul3A_12 : i32 to index
      %get3A_287 = tpu.vector_load %arg6[%get3A_285, %get3A_286] {strides = array<i32>} : memref<48x256xf32, #tpu.memory_space<vmem>>, vector<1x16xf32>,
      %get3A_288 = vector.shape_cast %get3A_287 : vector<1x16xf32> to vector<16xf32>
      %mul3A_289 = arith.mulf %get3A_288, %get3A_4 : vector<16xf32>
      %exp3A_290 = math.exp %mul3A_289 : vector<16xf32>
      %get3A_291 = arith.constant 28 : i32
      %get3A_292 = arith.index_cast %get3A_291 : i32 to index
      %get3A_293 = arith.index_cast %mul3A_12 : i32 to index
      %get3A_294 = tpu.vector_load %arg6[%get3A_292, %get3A_293] {strides = array<i32>} : memref<48x256xf32, #tpu.memory_space<vmem>>, vector<1x16xf32>,
      %get3A_295 = vector.shape_cast %get3A_294 : vector<1x16xf32> to vector<16xf32>
      %mul3A_296 = arith.mulf %get3A_295, %get3A_4 : vector<16xf32>
      %exp3A_297 = math.exp %mul3A_296 : vector<16xf32>
      %get3A_298 = arith.constant 29 : i32
      %get3A_299 = arith.index_cast %get3A_298 : i32 to index
      %get3A_300 = arith.index_cast %mul3A_12 : i32 to index
      %get3A_301 = tpu.vector_load %arg6[%get3A_299, %get3A_300] {strides = array<i32>} : memref<48x256xf32, #tpu.memory_space<vmem>>, vector<1x16xf32>,
      %get3A_302 = vector.shape_cast %get3A_301 : vector<1x16xf32> to vector<16xf32>
      %mul3A_303 = arith.mulf %get3A_302, %get3A_4 : vector<16xf32>
      %exp3A_304 = math.exp %mul3A_303 : vector<16xf32>
      %get3A_305 = arith.constant 30 : i32
      %get3A_306 = arith.index_cast %get3A_305 : i32 to index
      %get3A_307 = arith.index_cast %mul3A_12 : i32 to index
      %get3A_308 = tpu.vector_load %arg6[%get3A_306, %get3A_307] {strides = array<i32>} : memref<48x256xf32, #tpu.memory_space<vmem>>, vector<1x16xf32>,
      %get3A_309 = vector.shape_cast %get3A_308 : vector<1x16xf32> to vector<16xf32>
      %mul3A_310 = arith.mulf %get3A_309, %get3A_4 : vector<16xf32>
      %exp3A_311 = math.exp %mul3A_310 : vector<16xf32>
      %get3A_312 = arith.constant 31 : i32
      %get3A_313 = arith.index_cast %get3A_312 : i32 to index
      %get3A_314 = arith.index_cast %mul3A_12 : i32 to index
      %get3A_315 = tpu.vector_load %arg6[%get3A_313, %get3A_314] {strides = array<i32>} : memref<48x256xf32, #tpu.memory_space<vmem>>, vector<1x16xf32>,
      %get3A_316 = vector.shape_cast %get3A_315 : vector<1x16xf32> to vector<16xf32>
      %mul3A_317 = arith.mulf %get3A_316, %get3A_4 : vector<16xf32>
      %exp3A_318 = math.exp %mul3A_317 : vector<16xf32>
      %add3A_319 = arith.addf %exp3A_213, %exp3A_220 : vector<16xf32>
      %add3A_320 = arith.addf %add3A_319, %exp3A_227 : vector<16xf32>
      %add3A_321 = arith.addf %add3A_320, %exp3A_234 : vector<16xf32>
      %add3A_322 = arith.addf %add3A_321, %exp3A_241 : vector<16xf32>
      %add3A_323 = arith.addf %add3A_322, %exp3A_248 : vector<16xf32>
      %add3A_324 = arith.addf %add3A_323, %exp3A_255 : vector<16xf32>
      %add3A_325 = arith.addf %add3A_324, %exp3A_262 : vector<16xf32>
      %add3A_326 = arith.addf %add3A_325, %exp3A_269 : vector<16xf32>
      %add3A_327 = arith.addf %add3A_326, %exp3A_276 : vector<16xf32>
      %add3A_328 = arith.addf %add3A_327, %exp3A_283 : vector<16xf32>
      %add3A_329 = arith.addf %add3A_328, %exp3A_290 : vector<16xf32>
      %add3A_330 = arith.addf %add3A_329, %exp3A_297 : vector<16xf32>
      %add3A_331 = arith.addf %add3A_330, %exp3A_304 : vector<16xf32>
      %add3A_332 = arith.addf %add3A_331, %exp3A_311 : vector<16xf32>
      %add3A_333 = arith.addf %add3A_332, %exp3A_318 : vector<16xf32>
      %get3A_334 = arith.constant 1 : i32
      %get3A_335 = arith.index_cast %get3A_334 : i32 to index
      %get3A_336 = arith.index_cast %mul3A_12 : i32 to index
      %get3A_337 = tpu.vector_load %arg7[%get3A_335, %get3A_336] {strides = array<i32>} : memref<3x256xf32, #tpu.memory_space<vmem>>, vector<1x16xf32>,
      %get3A_338 = vector.shape_cast %get3A_337 : vector<1x16xf32> to vector<16xf32>
      %div3A_339 = arith.divf %get3A_338, %add3A_333 : vector<16xf32>
      %mul3A_340 = arith.mulf %div3A_339, %exp3A_213 : vector<16xf32>
      %add3A_341 = arith.addf %add3A_176, %mul3A_340 : vector<16xf32>
      %mul3A_342 = arith.mulf %div3A_339, %exp3A_220 : vector<16xf32>
      %add3A_343 = arith.addf %add3A_178, %mul3A_342 : vector<16xf32>
      %mul3A_344 = arith.mulf %div3A_339, %exp3A_227 : vector<16xf32>
      %add3A_345 = arith.addf %add3A_180, %mul3A_344 : vector<16xf32>
      %mul3A_346 = arith.mulf %div3A_339, %exp3A_234 : vector<16xf32>
      %add3A_347 = arith.addf %add3A_182, %mul3A_346 : vector<16xf32>
      %mul3A_348 = arith.mulf %div3A_339, %exp3A_241 : vector<16xf32>
      %add3A_349 = arith.addf %add3A_184, %mul3A_348 : vector<16xf32>
      %mul3A_350 = arith.mulf %div3A_339, %exp3A_248 : vector<16xf32>
      %add3A_351 = arith.addf %add3A_186, %mul3A_350 : vector<16xf32>
      %mul3A_352 = arith.mulf %div3A_339, %exp3A_255 : vector<16xf32>
      %add3A_353 = arith.addf %add3A_188, %mul3A_352 : vector<16xf32>
      %mul3A_354 = arith.mulf %div3A_339, %exp3A_262 : vector<16xf32>
      %add3A_355 = arith.addf %add3A_190, %mul3A_354 : vector<16xf32>
      %mul3A_356 = arith.mulf %div3A_339, %exp3A_269 : vector<16xf32>
      %add3A_357 = arith.addf %add3A_192, %mul3A_356 : vector<16xf32>
      %mul3A_358 = arith.mulf %div3A_339, %exp3A_276 : vector<16xf32>
      %add3A_359 = arith.addf %add3A_194, %mul3A_358 : vector<16xf32>
      %mul3A_360 = arith.mulf %div3A_339, %exp3A_283 : vector<16xf32>
      %add3A_361 = arith.addf %add3A_196, %mul3A_360 : vector<16xf32>
      %mul3A_362 = arith.mulf %div3A_339, %exp3A_290 : vector<16xf32>
      %add3A_363 = arith.addf %add3A_198, %mul3A_362 : vector<16xf32>
      %mul3A_364 = arith.mulf %div3A_339, %exp3A_297 : vector<16xf32>
      %add3A_365 = arith.addf %add3A_200, %mul3A_364 : vector<16xf32>
      %mul3A_366 = arith.mulf %div3A_339, %exp3A_304 : vector<16xf32>
      %add3A_367 = arith.addf %add3A_202, %mul3A_366 : vector<16xf32>
      %mul3A_368 = arith.mulf %div3A_339, %exp3A_311 : vector<16xf32>
      %add3A_369 = arith.addf %add3A_204, %mul3A_368 : vector<16xf32>
      %mul3A_370 = arith.mulf %div3A_339, %exp3A_318 : vector<16xf32>
      %add3A_371 = arith.addf %add3A_206, %mul3A_370 : vector<16xf32>
      %get3A_372 = arith.constant 32 : i32
      %get3A_373 = arith.index_cast %get3A_372 : i32 to index
      %get3A_374 = arith.index_cast %mul3A_12 : i32 to index
      %get3A_375 = tpu.vector_load %arg6[%get3A_373, %get3A_374] {strides = array<i32>} : memref<48x256xf32, #tpu.memory_space<vmem>>, vector<1x16xf32>,
      %get3A_376 = vector.shape_cast %get3A_375 : vector<1x16xf32> to vector<16xf32>
      %mul3A_377 = arith.mulf %get3A_376, %get3A_4 : vector<16xf32>
      %exp3A_378 = math.exp %mul3A_377 : vector<16xf32>
      %get3A_379 = arith.constant 33 : i32
      %get3A_380 = arith.index_cast %get3A_379 : i32 to index
      %get3A_381 = arith.index_cast %mul3A_12 : i32 to index
      %get3A_382 = tpu.vector_load %arg6[%get3A_380, %get3A_381] {strides = array<i32>} : memref<48x256xf32, #tpu.memory_space<vmem>>, vector<1x16xf32>,
      %get3A_383 = vector.shape_cast %get3A_382 : vector<1x16xf32> to vector<16xf32>
      %mul3A_384 = arith.mulf %get3A_383, %get3A_4 : vector<16xf32>
      %exp3A_385 = math.exp %mul3A_384 : vector<16xf32>
      %get3A_386 = arith.constant 34 : i32
      %get3A_387 = arith.index_cast %get3A_386 : i32 to index
      %get3A_388 = arith.index_cast %mul3A_12 : i32 to index
      %get3A_389 = tpu.vector_load %arg6[%get3A_387, %get3A_388] {strides = array<i32>} : memref<48x256xf32, #tpu.memory_space<vmem>>, vector<1x16xf32>,
      %get3A_390 = vector.shape_cast %get3A_389 : vector<1x16xf32> to vector<16xf32>
      %mul3A_391 = arith.mulf %get3A_390, %get3A_4 : vector<16xf32>
      %exp3A_392 = math.exp %mul3A_391 : vector<16xf32>
      %get3A_393 = arith.constant 35 : i32
      %get3A_394 = arith.index_cast %get3A_393 : i32 to index
      %get3A_395 = arith.index_cast %mul3A_12 : i32 to index
      %get3A_396 = tpu.vector_load %arg6[%get3A_394, %get3A_395] {strides = array<i32>} : memref<48x256xf32, #tpu.memory_space<vmem>>, vector<1x16xf32>,
      %get3A_397 = vector.shape_cast %get3A_396 : vector<1x16xf32> to vector<16xf32>
      %mul3A_398 = arith.mulf %get3A_397, %get3A_4 : vector<16xf32>
      %exp3A_399 = math.exp %mul3A_398 : vector<16xf32>
      %get3A_400 = arith.constant 36 : i32
      %get3A_401 = arith.index_cast %get3A_400 : i32 to index
      %get3A_402 = arith.index_cast %mul3A_12 : i32 to index
      %get3A_403 = tpu.vector_load %arg6[%get3A_401, %get3A_402] {strides = array<i32>} : memref<48x256xf32, #tpu.memory_space<vmem>>, vector<1x16xf32>,
      %get3A_404 = vector.shape_cast %get3A_403 : vector<1x16xf32> to vector<16xf32>
      %mul3A_405 = arith.mulf %get3A_404, %get3A_4 : vector<16xf32>
      %exp3A_406 = math.exp %mul3A_405 : vector<16xf32>
      %get3A_407 = arith.constant 37 : i32
      %get3A_408 = arith.index_cast %get3A_407 : i32 to index
      %get3A_409 = arith.index_cast %mul3A_12 : i32 to index
      %get3A_410 = tpu.vector_load %arg6[%get3A_408, %get3A_409] {strides = array<i32>} : memref<48x256xf32, #tpu.memory_space<vmem>>, vector<1x16xf32>,
      %get3A_411 = vector.shape_cast %get3A_410 : vector<1x16xf32> to vector<16xf32>
      %mul3A_412 = arith.mulf %get3A_411, %get3A_4 : vector<16xf32>
      %exp3A_413 = math.exp %mul3A_412 : vector<16xf32>
      %get3A_414 = arith.constant 38 : i32
      %get3A_415 = arith.index_cast %get3A_414 : i32 to index
      %get3A_416 = arith.index_cast %mul3A_12 : i32 to index
      %get3A_417 = tpu.vector_load %arg6[%get3A_415, %get3A_416] {strides = array<i32>} : memref<48x256xf32, #tpu.memory_space<vmem>>, vector<1x16xf32>,
      %get3A_418 = vector.shape_cast %get3A_417 : vector<1x16xf32> to vector<16xf32>
      %mul3A_419 = arith.mulf %get3A_418, %get3A_4 : vector<16xf32>
      %exp3A_420 = math.exp %mul3A_419 : vector<16xf32>
      %get3A_421 = arith.constant 39 : i32
      %get3A_422 = arith.index_cast %get3A_421 : i32 to index
      %get3A_423 = arith.index_cast %mul3A_12 : i32 to index
      %get3A_424 = tpu.vector_load %arg6[%get3A_422, %get3A_423] {strides = array<i32>} : memref<48x256xf32, #tpu.memory_space<vmem>>, vector<1x16xf32>,
      %get3A_425 = vector.shape_cast %get3A_424 : vector<1x16xf32> to vector<16xf32>
      %mul3A_426 = arith.mulf %get3A_425, %get3A_4 : vector<16xf32>
      %exp3A_427 = math.exp %mul3A_426 : vector<16xf32>
      %get3A_428 = arith.constant 40 : i32
      %get3A_429 = arith.index_cast %get3A_428 : i32 to index
      %get3A_430 = arith.index_cast %mul3A_12 : i32 to index
      %get3A_431 = tpu.vector_load %arg6[%get3A_429, %get3A_430] {strides = array<i32>} : memref<48x256xf32, #tpu.memory_space<vmem>>, vector<1x16xf32>,
      %get3A_432 = vector.shape_cast %get3A_431 : vector<1x16xf32> to vector<16xf32>
      %mul3A_433 = arith.mulf %get3A_432, %get3A_4 : vector<16xf32>
      %exp3A_434 = math.exp %mul3A_433 : vector<16xf32>
      %get3A_435 = arith.constant 41 : i32
      %get3A_436 = arith.index_cast %get3A_435 : i32 to index
      %get3A_437 = arith.index_cast %mul3A_12 : i32 to index
      %get3A_438 = tpu.vector_load %arg6[%get3A_436, %get3A_437] {strides = array<i32>} : memref<48x256xf32, #tpu.memory_space<vmem>>, vector<1x16xf32>,
      %get3A_439 = vector.shape_cast %get3A_438 : vector<1x16xf32> to vector<16xf32>
      %mul3A_440 = arith.mulf %get3A_439, %get3A_4 : vector<16xf32>
      %exp3A_441 = math.exp %mul3A_440 : vector<16xf32>
      %get3A_442 = arith.constant 42 : i32
      %get3A_443 = arith.index_cast %get3A_442 : i32 to index
      %get3A_444 = arith.index_cast %mul3A_12 : i32 to index
      %get3A_445 = tpu.vector_load %arg6[%get3A_443, %get3A_444] {strides = array<i32>} : memref<48x256xf32, #tpu.memory_space<vmem>>, vector<1x16xf32>,
      %get3A_446 = vector.shape_cast %get3A_445 : vector<1x16xf32> to vector<16xf32>
      %mul3A_447 = arith.mulf %get3A_446, %get3A_4 : vector<16xf32>
      %exp3A_448 = math.exp %mul3A_447 : vector<16xf32>
      %get3A_449 = arith.constant 43 : i32
      %get3A_450 = arith.index_cast %get3A_449 : i32 to index
      %get3A_451 = arith.index_cast %mul3A_12 : i32 to index
      %get3A_452 = tpu.vector_load %arg6[%get3A_450, %get3A_451] {strides = array<i32>} : memref<48x256xf32, #tpu.memory_space<vmem>>, vector<1x16xf32>,
      %get3A_453 = vector.shape_cast %get3A_452 : vector<1x16xf32> to vector<16xf32>
      %mul3A_454 = arith.mulf %get3A_453, %get3A_4 : vector<16xf32>
      %exp3A_455 = math.exp %mul3A_454 : vector<16xf32>
      %get3A_456 = arith.constant 44 : i32
      %get3A_457 = arith.index_cast %get3A_456 : i32 to index
      %get3A_458 = arith.index_cast %mul3A_12 : i32 to index
      %get3A_459 = tpu.vector_load %arg6[%get3A_457, %get3A_458] {strides = array<i32>} : memref<48x256xf32, #tpu.memory_space<vmem>>, vector<1x16xf32>,
      %get3A_460 = vector.shape_cast %get3A_459 : vector<1x16xf32> to vector<16xf32>
      %mul3A_461 = arith.mulf %get3A_460, %get3A_4 : vector<16xf32>
      %exp3A_462 = math.exp %mul3A_461 : vector<16xf32>
      %get3A_463 = arith.constant 45 : i32
      %get3A_464 = arith.index_cast %get3A_463 : i32 to index
      %get3A_465 = arith.index_cast %mul3A_12 : i32 to index
      %get3A_466 = tpu.vector_load %arg6[%get3A_464, %get3A_465] {strides = array<i32>} : memref<48x256xf32, #tpu.memory_space<vmem>>, vector<1x16xf32>,
      %get3A_467 = vector.shape_cast %get3A_466 : vector<1x16xf32> to vector<16xf32>
      %mul3A_468 = arith.mulf %get3A_467, %get3A_4 : vector<16xf32>
      %exp3A_469 = math.exp %mul3A_468 : vector<16xf32>
      %get3A_470 = arith.constant 46 : i32
      %get3A_471 = arith.index_cast %get3A_470 : i32 to index
      %get3A_472 = arith.index_cast %mul3A_12 : i32 to index
      %get3A_473 = tpu.vector_load %arg6[%get3A_471, %get3A_472] {strides = array<i32>} : memref<48x256xf32, #tpu.memory_space<vmem>>, vector<1x16xf32>,
      %get3A_474 = vector.shape_cast %get3A_473 : vector<1x16xf32> to vector<16xf32>
      %mul3A_475 = arith.mulf %get3A_474, %get3A_4 : vector<16xf32>
      %exp3A_476 = math.exp %mul3A_475 : vector<16xf32>
      %get3A_477 = arith.constant 47 : i32
      %get3A_478 = arith.index_cast %get3A_477 : i32 to index
      %get3A_479 = arith.index_cast %mul3A_12 : i32 to index
      %get3A_480 = tpu.vector_load %arg6[%get3A_478, %get3A_479] {strides = array<i32>} : memref<48x256xf32, #tpu.memory_space<vmem>>, vector<1x16xf32>,
      %get3A_481 = vector.shape_cast %get3A_480 : vector<1x16xf32> to vector<16xf32>
      %mul3A_482 = arith.mulf %get3A_481, %get3A_4 : vector<16xf32>
      %exp3A_483 = math.exp %mul3A_482 : vector<16xf32>
      %add3A_484 = arith.addf %exp3A_378, %exp3A_385 : vector<16xf32>
      %add3A_485 = arith.addf %add3A_484, %exp3A_392 : vector<16xf32>
      %add3A_486 = arith.addf %add3A_485, %exp3A_399 : vector<16xf32>
      %add3A_487 = arith.addf %add3A_486, %exp3A_406 : vector<16xf32>
      %add3A_488 = arith.addf %add3A_487, %exp3A_413 : vector<16xf32>
      %add3A_489 = arith.addf %add3A_488, %exp3A_420 : vector<16xf32>
      %add3A_490 = arith.addf %add3A_489, %exp3A_427 : vector<16xf32>
      %add3A_491 = arith.addf %add3A_490, %exp3A_434 : vector<16xf32>
      %add3A_492 = arith.addf %add3A_491, %exp3A_441 : vector<16xf32>
      %add3A_493 = arith.addf %add3A_492, %exp3A_448 : vector<16xf32>
      %add3A_494 = arith.addf %add3A_493, %exp3A_455 : vector<16xf32>
      %add3A_495 = arith.addf %add3A_494, %exp3A_462 : vector<16xf32>
      %add3A_496 = arith.addf %add3A_495, %exp3A_469 : vector<16xf32>
      %add3A_497 = arith.addf %add3A_496, %exp3A_476 : vector<16xf32>
      %add3A_498 = arith.addf %add3A_497, %exp3A_483 : vector<16xf32>
      %get3A_499 = arith.constant 2 : i32
      %get3A_500 = arith.index_cast %get3A_499 : i32 to index
      %get3A_501 = arith.index_cast %mul3A_12 : i32 to index
      %get3A_502 = tpu.vector_load %arg7[%get3A_500, %get3A_501] {strides = array<i32>} : memref<3x256xf32, #tpu.memory_space<vmem>>, vector<1x16xf32>,
      %get3A_503 = vector.shape_cast %get3A_502 : vector<1x16xf32> to vector<16xf32>
      %div3A_504 = arith.divf %get3A_503, %add3A_498 : vector<16xf32>
      %mul3A_505 = arith.mulf %div3A_504, %exp3A_378 : vector<16xf32>
      %add3A_506 = arith.addf %add3A_341, %mul3A_505 : vector<16xf32>
      %mul3A_507 = arith.mulf %div3A_504, %exp3A_385 : vector<16xf32>
      %add3A_508 = arith.addf %add3A_343, %mul3A_507 : vector<16xf32>
      %mul3A_509 = arith.mulf %div3A_504, %exp3A_392 : vector<16xf32>
      %add3A_510 = arith.addf %add3A_345, %mul3A_509 : vector<16xf32>
      %mul3A_511 = arith.mulf %div3A_504, %exp3A_399 : vector<16xf32>
      %add3A_512 = arith.addf %add3A_347, %mul3A_511 : vector<16xf32>
      %mul3A_513 = arith.mulf %div3A_504, %exp3A_406 : vector<16xf32>
      %add3A_514 = arith.addf %add3A_349, %mul3A_513 : vector<16xf32>
      %mul3A_515 = arith.mulf %div3A_504, %exp3A_413 : vector<16xf32>
      %add3A_516 = arith.addf %add3A_351, %mul3A_515 : vector<16xf32>
      %mul3A_517 = arith.mulf %div3A_504, %exp3A_420 : vector<16xf32>
      %add3A_518 = arith.addf %add3A_353, %mul3A_517 : vector<16xf32>
      %mul3A_519 = arith.mulf %div3A_504, %exp3A_427 : vector<16xf32>
      %add3A_520 = arith.addf %add3A_355, %mul3A_519 : vector<16xf32>
      %mul3A_521 = arith.mulf %div3A_504, %exp3A_434 : vector<16xf32>
      %add3A_522 = arith.addf %add3A_357, %mul3A_521 : vector<16xf32>
      %mul3A_523 = arith.mulf %div3A_504, %exp3A_441 : vector<16xf32>
      %add3A_524 = arith.addf %add3A_359, %mul3A_523 : vector<16xf32>
      %mul3A_525 = arith.mulf %div3A_504, %exp3A_448 : vector<16xf32>
      %add3A_526 = arith.addf %add3A_361, %mul3A_525 : vector<16xf32>
      %mul3A_527 = arith.mulf %div3A_504, %exp3A_455 : vector<16xf32>
      %add3A_528 = arith.addf %add3A_363, %mul3A_527 : vector<16xf32>
      %mul3A_529 = arith.mulf %div3A_504, %exp3A_462 : vector<16xf32>
      %add3A_530 = arith.addf %add3A_365, %mul3A_529 : vector<16xf32>
      %mul3A_531 = arith.mulf %div3A_504, %exp3A_469 : vector<16xf32>
      %add3A_532 = arith.addf %add3A_367, %mul3A_531 : vector<16xf32>
      %mul3A_533 = arith.mulf %div3A_504, %exp3A_476 : vector<16xf32>
      %add3A_534 = arith.addf %add3A_369, %mul3A_533 : vector<16xf32>
      %mul3A_535 = arith.mulf %div3A_504, %exp3A_483 : vector<16xf32>
      %add3A_536 = arith.addf %add3A_371, %mul3A_535 : vector<16xf32>
      %swap3A = arith.constant 0 : i32
      %swap3A_537 = arith.index_cast %swap3A : i32 to index
      %swap3A_538 = arith.index_cast %mul3A_12 : i32 to index
      %swap3A_539 = tpu.vector_load %arg9[%swap3A_537, %swap3A_538] {strides = array<i32>} : memref<16x256xf32, #tpu.memory_space<vmem>>, vector<1x16xf32>,
      %swap3A_540 = vector.shape_cast %swap3A_539 : vector<1x16xf32> to vector<16xf32>
      %swap3A_541 = vector.shape_cast %add3A_506 : vector<16xf32> to vector<1x16xf32>
      tpu.vector_store %arg9[%swap3A_537, %swap3A_538], %swap3A_541 {strides = array<i32>} : memref<16x256xf32, #tpu.memory_space<vmem>>, vector<1x16xf32>,
      %swap3A_542 = arith.constant 1 : i32
      %swap3A_543 = arith.index_cast %swap3A_542 : i32 to index
      %swap3A_544 = arith.index_cast %mul3A_12 : i32 to index
      %swap3A_545 = tpu.vector_load %arg9[%swap3A_543, %swap3A_544] {strides = array<i32>} : memref<16x256xf32, #tpu.memory_space<vmem>>, vector<1x16xf32>,
      %swap3A_546 = vector.shape_cast %swap3A_545 : vector<1x16xf32> to vector<16xf32>
      %swap3A_547 = vector.shape_cast %add3A_508 : vector<16xf32> to vector<1x16xf32>
      tpu.vector_store %arg9[%swap3A_543, %swap3A_544], %swap3A_547 {strides = array<i32>} : memref<16x256xf32, #tpu.memory_space<vmem>>, vector<1x16xf32>,
      %swap3A_548 = arith.constant 2 : i32
      %swap3A_549 = arith.index_cast %swap3A_548 : i32 to index
      %swap3A_550 = arith.index_cast %mul3A_12 : i32 to index
      %swap3A_551 = tpu.vector_load %arg9[%swap3A_549, %swap3A_550] {strides = array<i32>} : memref<16x256xf32, #tpu.memory_space<vmem>>, vector<1x16xf32>,
      %swap3A_552 = vector.shape_cast %swap3A_551 : vector<1x16xf32> to vector<16xf32>
      %swap3A_553 = vector.shape_cast %add3A_510 : vector<16xf32> to vector<1x16xf32>
      tpu.vector_store %arg9[%swap3A_549, %swap3A_550], %swap3A_553 {strides = array<i32>} : memref<16x256xf32, #tpu.memory_space<vmem>>, vector<1x16xf32>,
      %swap3A_554 = arith.constant 3 : i32
      %swap3A_555 = arith.index_cast %swap3A_554 : i32 to index
      %swap3A_556 = arith.index_cast %mul3A_12 : i32 to index
      %swap3A_557 = tpu.vector_load %arg9[%swap3A_555, %swap3A_556] {strides = array<i32>} : memref<16x256xf32, #tpu.memory_space<vmem>>, vector<1x16xf32>,
      %swap3A_558 = vector.shape_cast %swap3A_557 : vector<1x16xf32> to vector<16xf32>
      %swap3A_559 = vector.shape_cast %add3A_512 : vector<16xf32> to vector<1x16xf32>
      tpu.vector_store %arg9[%swap3A_555, %swap3A_556], %swap3A_559 {strides = array<i32>} : memref<16x256xf32, #tpu.memory_space<vmem>>, vector<1x16xf32>,
      %swap3A_560 = arith.constant 4 : i32
      %swap3A_561 = arith.index_cast %swap3A_560 : i32 to index
      %swap3A_562 = arith.index_cast %mul3A_12 : i32 to index
      %swap3A_563 = tpu.vector_load %arg9[%swap3A_561, %swap3A_562] {strides = array<i32>} : memref<16x256xf32, #tpu.memory_space<vmem>>, vector<1x16xf32>,
      %swap3A_564 = vector.shape_cast %swap3A_563 : vector<1x16xf32> to vector<16xf32>
      %swap3A_565 = vector.shape_cast %add3A_514 : vector<16xf32> to vector<1x16xf32>
      tpu.vector_store %arg9[%swap3A_561, %swap3A_562], %swap3A_565 {strides = array<i32>} : memref<16x256xf32, #tpu.memory_space<vmem>>, vector<1x16xf32>,
      %swap3A_566 = arith.constant 5 : i32
      %swap3A_567 = arith.index_cast %swap3A_566 : i32 to index
      %swap3A_568 = arith.index_cast %mul3A_12 : i32 to index
      %swap3A_569 = tpu.vector_load %arg9[%swap3A_567, %swap3A_568] {strides = array<i32>} : memref<16x256xf32, #tpu.memory_space<vmem>>, vector<1x16xf32>,
      %swap3A_570 = vector.shape_cast %swap3A_569 : vector<1x16xf32> to vector<16xf32>
      %swap3A_571 = vector.shape_cast %add3A_516 : vector<16xf32> to vector<1x16xf32>
      tpu.vector_store %arg9[%swap3A_567, %swap3A_568], %swap3A_571 {strides = array<i32>} : memref<16x256xf32, #tpu.memory_space<vmem>>, vector<1x16xf32>,
      %swap3A_572 = arith.constant 6 : i32
      %swap3A_573 = arith.index_cast %swap3A_572 : i32 to index
      %swap3A_574 = arith.index_cast %mul3A_12 : i32 to index
      %swap3A_575 = tpu.vector_load %arg9[%swap3A_573, %swap3A_574] {strides = array<i32>} : memref<16x256xf32, #tpu.memory_space<vmem>>, vector<1x16xf32>,
      %swap3A_576 = vector.shape_cast %swap3A_575 : vector<1x16xf32> to vector<16xf32>
      %swap3A_577 = vector.shape_cast %add3A_518 : vector<16xf32> to vector<1x16xf32>
      tpu.vector_store %arg9[%swap3A_573, %swap3A_574], %swap3A_577 {strides = array<i32>} : memref<16x256xf32, #tpu.memory_space<vmem>>, vector<1x16xf32>,
      %swap3A_578 = arith.constant 7 : i32
      %swap3A_579 = arith.index_cast %swap3A_578 : i32 to index
      %swap3A_580 = arith.index_cast %mul3A_12 : i32 to index
      %swap3A_581 = tpu.vector_load %arg9[%swap3A_579, %swap3A_580] {strides = array<i32>} : memref<16x256xf32, #tpu.memory_space<vmem>>, vector<1x16xf32>,
      %swap3A_582 = vector.shape_cast %swap3A_581 : vector<1x16xf32> to vector<16xf32>
      %swap3A_583 = vector.shape_cast %add3A_520 : vector<16xf32> to vector<1x16xf32>
      tpu.vector_store %arg9[%swap3A_579, %swap3A_580], %swap3A_583 {strides = array<i32>} : memref<16x256xf32, #tpu.memory_space<vmem>>, vector<1x16xf32>,
      %swap3A_584 = arith.constant 8 : i32
      %swap3A_585 = arith.index_cast %swap3A_584 : i32 to index
      %swap3A_586 = arith.index_cast %mul3A_12 : i32 to index
      %swap3A_587 = tpu.vector_load %arg9[%swap3A_585, %swap3A_586] {strides = array<i32>} : memref<16x256xf32, #tpu.memory_space<vmem>>, vector<1x16xf32>,
      %swap3A_588 = vector.shape_cast %swap3A_587 : vector<1x16xf32> to vector<16xf32>
      %swap3A_589 = vector.shape_cast %add3A_522 : vector<16xf32> to vector<1x16xf32>
      tpu.vector_store %arg9[%swap3A_585, %swap3A_586], %swap3A_589 {strides = array<i32>} : memref<16x256xf32, #tpu.memory_space<vmem>>, vector<1x16xf32>,
      %swap3A_590 = arith.constant 9 : i32
      %swap3A_591 = arith.index_cast %swap3A_590 : i32 to index
      %swap3A_592 = arith.index_cast %mul3A_12 : i32 to index
      %swap3A_593 = tpu.vector_load %arg9[%swap3A_591, %swap3A_592] {strides = array<i32>} : memref<16x256xf32, #tpu.memory_space<vmem>>, vector<1x16xf32>,
      %swap3A_594 = vector.shape_cast %swap3A_593 : vector<1x16xf32> to vector<16xf32>
      %swap3A_595 = vector.shape_cast %add3A_524 : vector<16xf32> to vector<1x16xf32>
      tpu.vector_store %arg9[%swap3A_591, %swap3A_592], %swap3A_595 {strides = array<i32>} : memref<16x256xf32, #tpu.memory_space<vmem>>, vector<1x16xf32>,
      %swap3A_596 = arith.constant 10 : i32
      %swap3A_597 = arith.index_cast %swap3A_596 : i32 to index
      %swap3A_598 = arith.index_cast %mul3A_12 : i32 to index
      %swap3A_599 = tpu.vector_load %arg9[%swap3A_597, %swap3A_598] {strides = array<i32>} : memref<16x256xf32, #tpu.memory_space<vmem>>, vector<1x16xf32>,
      %swap3A_600 = vector.shape_cast %swap3A_599 : vector<1x16xf32> to vector<16xf32>
      %swap3A_601 = vector.shape_cast %add3A_526 : vector<16xf32> to vector<1x16xf32>
      tpu.vector_store %arg9[%swap3A_597, %swap3A_598], %swap3A_601 {strides = array<i32>} : memref<16x256xf32, #tpu.memory_space<vmem>>, vector<1x16xf32>,
      %swap3A_602 = arith.constant 11 : i32
      %swap3A_603 = arith.index_cast %swap3A_602 : i32 to index
      %swap3A_604 = arith.index_cast %mul3A_12 : i32 to index
      %swap3A_605 = tpu.vector_load %arg9[%swap3A_603, %swap3A_604] {strides = array<i32>} : memref<16x256xf32, #tpu.memory_space<vmem>>, vector<1x16xf32>,
      %swap3A_606 = vector.shape_cast %swap3A_605 : vector<1x16xf32> to vector<16xf32>
      %swap3A_607 = vector.shape_cast %add3A_528 : vector<16xf32> to vector<1x16xf32>
      tpu.vector_store %arg9[%swap3A_603, %swap3A_604], %swap3A_607 {strides = array<i32>} : memref<16x256xf32, #tpu.memory_space<vmem>>, vector<1x16xf32>,
      %swap3A_608 = arith.constant 12 : i32
      %swap3A_609 = arith.index_cast %swap3A_608 : i32 to index
      %swap3A_610 = arith.index_cast %mul3A_12 : i32 to index
      %swap3A_611 = tpu.vector_load %arg9[%swap3A_609, %swap3A_610] {strides = array<i32>} : memref<16x256xf32, #tpu.memory_space<vmem>>, vector<1x16xf32>,
      %swap3A_612 = vector.shape_cast %swap3A_611 : vector<1x16xf32> to vector<16xf32>
      %swap3A_613 = vector.shape_cast %add3A_530 : vector<16xf32> to vector<1x16xf32>
      tpu.vector_store %arg9[%swap3A_609, %swap3A_610], %swap3A_613 {strides = array<i32>} : memref<16x256xf32, #tpu.memory_space<vmem>>, vector<1x16xf32>,
      %swap3A_614 = arith.constant 13 : i32
      %swap3A_615 = arith.index_cast %swap3A_614 : i32 to index
      %swap3A_616 = arith.index_cast %mul3A_12 : i32 to index
      %swap3A_617 = tpu.vector_load %arg9[%swap3A_615, %swap3A_616] {strides = array<i32>} : memref<16x256xf32, #tpu.memory_space<vmem>>, vector<1x16xf32>,
      %swap3A_618 = vector.shape_cast %swap3A_617 : vector<1x16xf32> to vector<16xf32>
      %swap3A_619 = vector.shape_cast %add3A_532 : vector<16xf32> to vector<1x16xf32>
      tpu.vector_store %arg9[%swap3A_615, %swap3A_616], %swap3A_619 {strides = array<i32>} : memref<16x256xf32, #tpu.memory_space<vmem>>, vector<1x16xf32>,
      %swap3A_620 = arith.constant 14 : i32
      %swap3A_621 = arith.index_cast %swap3A_620 : i32 to index
      %swap3A_622 = arith.index_cast %mul3A_12 : i32 to index
      %swap3A_623 = tpu.vector_load %arg9[%swap3A_621, %swap3A_622] {strides = array<i32>} : memref<16x256xf32, #tpu.memory_space<vmem>>, vector<1x16xf32>,
      %swap3A_624 = vector.shape_cast %swap3A_623 : vector<1x16xf32> to vector<16xf32>
      %swap3A_625 = vector.shape_cast %add3A_534 : vector<16xf32> to vector<1x16xf32>
      tpu.vector_store %arg9[%swap3A_621, %swap3A_622], %swap3A_625 {strides = array<i32>} : memref<16x256xf32, #tpu.memory_space<vmem>>, vector<1x16xf32>,
      %swap3A_626 = arith.constant 15 : i32
      %swap3A_627 = arith.index_cast %swap3A_626 : i32 to index
      %swap3A_628 = arith.index_cast %mul3A_12 : i32 to index
      %swap3A_629 = tpu.vector_load %arg9[%swap3A_627, %swap3A_628] {strides = array<i32>} : memref<16x256xf32, #tpu.memory_space<vmem>>, vector<1x16xf32>,
      %swap3A_630 = vector.shape_cast %swap3A_629 : vector<1x16xf32> to vector<16xf32>
      %swap3A_631 = vector.shape_cast %add3A_536 : vector<16xf32> to vector<1x16xf32>
      tpu.vector_store %arg9[%swap3A_627, %swap3A_628], %swap3A_631 {strides = array<i32>} : memref<16x256xf32, #tpu.memory_space<vmem>>, vector<1x16xf32>,
    }
    %scan3A_9 = arith.constant 16 : i32
    "tpu.region"() ({
      %run_scoped3A = tpu.sem_alloc : memref<!tpu.dma_semaphore, #tpu.memory_space<semaphore_mem>>
      %dma_start3A = arith.constant 0 : i32
      %dma_start3A_10 = tpu.memref_slice %arg5[%dma_start3A, %mul3A_2] : memref<16x8192xf32, #tpu.memory_space<hbm>> -> memref<16x256xf32, #tpu.memory_space<hbm>>
      %dma_start3A_11 = arith.constant 0 : i32
      %dma_start3A_12 = tpu.memref_slice %arg5[%dma_start3A_11, %mul3A_2] : memref<16x8192xf32, #tpu.memory_space<hbm>> -> memref<16x256xf32, #tpu.memory_space<hbm>>
      tpu.enqueue_dma source(%arg9 : memref<16x256xf32, #tpu.memory_space<vmem>>) target(%dma_start3A_12 : memref<16x256xf32, #tpu.memory_space<hbm>>) target_semaphore(%run_scoped3A : memref<!tpu.dma_semaphore, #tpu.memory_space<semaphore_mem>>)
      %dma_wait3A = arith.constant 0 : i32
      %dma_wait3A_13 = tpu.memref_slice %arg5[%dma_wait3A, %mul3A_2] : memref<16x8192xf32, #tpu.memory_space<hbm>> -> memref<16x256xf32, #tpu.memory_space<hbm>>
      %dma_wait3A_14 = arith.constant 0 : i32
      %dma_wait3A_15 = tpu.memref_slice %arg5[%dma_wait3A_14, %mul3A_2] : memref<16x8192xf32, #tpu.memory_space<hbm>> -> memref<16x256xf32, #tpu.memory_space<hbm>>
      tpu.wait_dma2 semaphore(%run_scoped3A : memref<!tpu.dma_semaphore, #tpu.memory_space<semaphore_mem>>) src(%arg9 : memref<16x256xf32, #tpu.memory_space<vmem>>) dst(%dma_wait3A_15 : memref<16x256xf32, #tpu.memory_space<hbm>>)
      tpu.yield
    }) : () -> ()
    return
  }
}

module attributes {stable_mosaic.version = 14 : i64} {
  func.func @_tc_body(%arg0: i32, %arg1: memref<1x1xf32, #tpu.memory_space<smem>>, %arg2: memref<16x1024xf32, #tpu.memory_space<vmem>>, %arg3: memref<16x256xf32, #tpu.memory_space<vmem>>, %arg4: memref<1024x256xf32, #tpu.memory_space<vmem>>) attributes {dimension_semantics = [#tpu.dimension_semantics<arbitrary>], iteration_bounds = array<i64: 8>, scalar_prefetch = 0 : i64, scratch_operands = 0 : i64, tpu.core_type = #tpu.core_type<tc>, window_params = [{transform_indices = @transform_0, window_bounds = array<i64: 1, 1>}, {transform_indices = @transform_1, window_bounds = array<i64: 16, 1024>}, {pipeline_mode = #tpu.pipeline_mode<synchronous>, transform_indices = @transform_2, window_bounds = array<i64: 16, 256>}, {transform_indices = @transform_3, window_bounds = array<i64: 1024, 256>}]} {
    %get3A = arith.constant 0 : index
    %get3A_0 = arith.constant 0 : index
    %get3A_1 = memref.load %arg1[%get3A, %get3A_0] : memref<1x1xf32, #tpu.memory_space<smem>>
    %get3A_2 = arith.constant 0 : index
    %get3A_3 = arith.constant 0 : index
    %get3A_4 = vector.load %arg3[%get3A_2, %get3A_3] : memref<16x256xf32, #tpu.memory_space<vmem>>, vector<16x256xf32>
    %mul3A = vector.broadcast %get3A_1 : f32 to vector<16x256xf32>
    %mul3A_5 = arith.mulf %get3A_4, %mul3A : vector<16x256xf32>
    %tanh3A = math.tanh %mul3A_5 : vector<16x256xf32>
    %get3A_6 = arith.constant 0 : index
    %get3A_7 = arith.constant 0 : index
    %get3A_8 = vector.load %arg2[%get3A_6, %get3A_7] : memref<16x1024xf32, #tpu.memory_space<vmem>>, vector<16x1024xf32>
    %dot_general3A = arith.constant dense<0.000000e+00> : vector<1024x256xf32>
    %dot_general3A_9 = tpu.matmul %get3A_8, %tanh3A, %dot_general3A {dimension_numbers = #tpu.dot_dimension_numbers<[0], [0], [1], [1], [0, 1, 1, 1], [], []>, transpose_lhs_hint = false} : vector<16x1024xf32>, vector<16x256xf32>, vector<1024x256xf32> -> vector<1024x256xf32>
    %swap3A = arith.constant 0 : index
    %swap3A_10 = arith.constant 0 : index
    %swap3A_11 = vector.load %arg4[%swap3A, %swap3A_10] : memref<1024x256xf32, #tpu.memory_space<vmem>>, vector<1024x256xf32>
    tpu.vector_store %arg4[%swap3A, %swap3A_10], %dot_general3A_9 {strides = array<i32>} : memref<1024x256xf32, #tpu.memory_space<vmem>>, vector<1024x256xf32>,
    return
  }
  func.func @transform_0(%arg0: i32) -> (i32, i32) {
    %c0_i32 = arith.constant 0 : i32
    %c0_i32_0 = arith.constant 0 : i32
    %c0_i32_1 = arith.constant 0 : i32
    return %c0_i32, %c0_i32_0 : i32, i32
  }
  func.func @transform_1(%arg0: i32) -> (i32, i32) {
    %c0_i32 = arith.constant 0 : i32
    %c0_i32_0 = arith.constant 0 : i32
    return %c0_i32, %arg0 : i32, i32
  }
  func.func @transform_2(%arg0: i32) -> (i32, i32) {
    %c0_i32 = arith.constant 0 : i32
    %c0_i32_0 = arith.constant 0 : i32
    %c0_i32_1 = arith.constant 0 : i32
    return %c0_i32, %c0_i32_0 : i32, i32
  }
  func.func @transform_3(%arg0: i32) -> (i32, i32) {
    %c0_i32 = arith.constant 0 : i32
    %c0_i32_0 = arith.constant 0 : i32
    return %arg0, %c0_i32 : i32, i32
  }
}

</mosaic_0001>

<sc_bundles>
// kernel: kernel.4.cloned.1.call-start
scs
__scs_entry_jumppad:
0x0: {  	(pc) =	sbr.rel $0x88, $3  }
0x1: {  	(tag) =	ssettag $0x0;
	lr =	simm.s32 $0x1  }
0x2: {  	[smem:$0x3F9D] =	sst lr;
	_ =	strace $0xD0000000  }
0x3: {  	_ = 	snop  }
0x4: {  	_ = 	snop  }
0x5: {  	_ = 	snop  }
0x6: {  	_ = 	snop  }
0x7: {  	_ = 	snop  }
__scs_overlays_trampoline_lowered:
0x8: {  	[smem:$0x3FAC] =	sst s0  }
0x9: {  	[smem:$0x3FAD] =	sst s1  }
0xa: {  	[smem:$0x3FAE] =	sst s2  }
0xb: {  	[smem:$0x3FAF] =	sst s3  }
0xc: {  	[smem:$0x3FB0] =	sst s4  }
0xd: {  	[smem:$0x3FB1] =	sst s5  }
0xe: {  	[smem:$0x3FB2] =	sst s6  }
0xf: {  	[smem:$0x3FB3] =	sst s7  }
0x10: {  	[smem:$0x3FB4] =	sst s8  }
0x11: {  	[smem:$0x3FB5] =	sst s9;
	s0 =	simm.s32 @!p0 $0x0  }
0x12: {  	s1 =	sld [smem:$0x3F9B];
	s0 =	simm.s32 @p0 $0x1  }
0x13: {  	[smem:$0x3FB6] =	sst s0;
	s0 =	simm.s32 @!p1 $0x0  }
0x14: {  	s2 =	sld [smem:$0x3F9A];
	s0 =	simm.s32 @p1 $0x1  }
0x15: {  	[smem:$0x3FB7] =	sst s0;
	s0 =	simm.s32 @!p2 $0x0  }
0x16: {  	s3 =	sld [smem:$0x3FDB];
	s0 =	simm.s32 @p2 $0x1  }
0x17: {  	s4 =	simm.s32 $0x1BF5;
	[smem:$0x3FB9] =	sst s0  }
0x18: {  	s0 =	sld [smem:$0x3F9C];
	_ =	swait.ge [sflag:s4], $0x0  }
0x19: {  	s7 =	sld [smem:$0x3F9D]  }
0x1a: {  	s8 =	sadd.s32 $0xFFFFE003, lr  }
0x1b: {  	s9 =	sadd.s32 $0xFFFFFEF7, lr;
	s5 =	simm.s32 $0xFFFFFFFF;
	p2 =	slt.u32 s8, $0xFFFFF086  }
0x1c: {  	p1 =	slt.u32 s9, $0xF7A;
	s5 =	simm.s32 @!p2 $0x0  }
0x1d: {  	s5 =	simm.s32 @p1 $0x1;
	p0 =	seq.s32 s7, s2  }
0x1e: {  	s7 =	smul.u32 @!p0 $0xF7A, s2;
	p2 =	seq.s32 @!p0 s5, $0x0  }
0x1f: {  	s9 =	smul.u32 $0xF7A, s1;
	s8 =	simm.s32 @!p0 $0x1BF5;
	p2 =	por !p2, p0  }
0x20: {  	[sflag:s8] =	ssyncset.s32 @!p0 $0xFFFFF086;
	s6 =	sadd.s32 @!p0 s3, s7;
	s7 =	simm.s32 @!p0 $0x108  }
0x21: {  	s3 =	sadd.s32 s3, s9;
	s6 =	sadd.s32 @!p0 $0x88, s6;
	s7 =	simm.s32 @p2 $0x1082  }
0x22: {  	[simem:s7], [sflag:s8] =	dma.local @!p0 [hbm:s6], $0xF7A  }
0x23: {  	s9 =	sor.u32 $0xD0000000, s2;
	s6 =	simm.s32 $0x108;
	_ =	swait.ge @!p0 [sflag:s8], $0x0  }
0x24: {  	s3 =	sadd.s32 $0x88, s3;
	s6 =	simm.s32 @!p1 $0x1082;
	[sflag:s4] =	ssyncset.s32 $0xFFFFF086  }
0x25: {  	[simem:s6], [sflag:s4] =	dma.local [hbm:s3], $0xF7A  }
0x26: {  	[smem:$0x3F9D] =	sst s1;
	(tag) =	ssettag s2;
	_ =	strace s9  }
0x27: {  	s1 =	sld [smem:$0x3FAD]  }
0x28: {  	s2 =	sld [smem:$0x3FAE]  }
0x29: {  	s4 =	sld [smem:$0x3FB0]  }
0x2a: {  	p0 =	seq.s32 s5, $0x0;
	s5 =	sld [smem:$0x3FB1]  }
0x2b: {  	s6 =	sld [smem:$0x3FB2]  }
0x2c: {  	s7 =	sld [smem:$0x3FB3]  }
0x2d: {  	s3 =	simm.s32 $0x108;
	s8 =	sld [smem:$0x3FB4]  }
0x2e: {  	s3 =	simm.s32 @!p0 $0x1082;
	s9 =	sld [smem:$0x3FB5]  }
0x2f: {  	lr =	sadd.s32 s0, s3;
	s0 =	sld [smem:$0x3FAC]  }
0x30: {  	s3 =	sld [smem:$0x3FAF]  }
0x31: {  	[smem:$0x3FB8] =	sst s10  }
0x32: {  	s10 =	sld [smem:$0x3FB6];
	_ =	sdelay $0x3  }
0x33: {  	p0 =	seq.s32 s10, $0x1;
	s10 =	sld [smem:$0x3FB8];
	_ =	sdelay $0x3  }
0x34: {  	[smem:$0x3FB8] =	sst s10  }
0x35: {  	s10 =	sld [smem:$0x3FB7];
	_ =	sdelay $0x3  }
0x36: {  	p1 =	seq.s32 s10, $0x1;
	s10 =	sld [smem:$0x3FB8];
	_ =	sdelay $0x3  }
0x37: {  	[smem:$0x3FB8] =	sst s10  }
0x38: {  	s10 =	sld [smem:$0x3FB9]  }
0x39: {  	_ = 	snop;
	(pc) =	sbr.ind lr, $3  }
0x3a: {  	_ = 	snop  }
0x3b: {  	_ = 	snop  }
0x3c: {  	p2 =	seq.s32 s10, $0x1;
	s10 =	sld [smem:$0x3FB8]  }
0x3d: {  	_ =	shalt  }
0x3e: {  	_ =	shalt  }
0x3f: {  	_ =	shalt  }
0x40: {  	_ =	shalt  }
0x41: {  	_ =	shalt  }
0x42: {  	_ =	shalt  }
0x43: {  	_ =	shalt  }
0x44: {  	_ =	shalt  }
0x45: {  	_ =	shalt  }
0x46: {  	_ =	shalt  }
0x47: {  	_ =	shalt  }
0x48: {  	_ =	shalt  }
0x49: {  	_ =	shalt  }
0x4a: {  	_ =	shalt  }
0x4b: {  	_ =	shalt  }
0x4c: {  	_ =	shalt  }
0x4d: {  	_ =	shalt  }
0x4e: {  	_ =	shalt  }
0x4f: {  	_ =	shalt  }
0x50: {  	_ =	shalt  }
0x51: {  	_ =	shalt  }
0x52: {  	_ =	shalt  }
0x53: {  	_ =	shalt  }
0x54: {  	_ =	shalt  }
0x55: {  	_ =	shalt  }
0x56: {  	_ =	shalt  }
0x57: {  	_ =	shalt  }
0x58: {  	_ =	shalt  }
0x59: {  	_ =	shalt  }
0x5a: {  	_ =	shalt  }
0x5b: {  	_ =	shalt  }
0x5c: {  	_ =	shalt  }
0x5d: {  	_ =	shalt  }
0x5e: {  	_ =	shalt  }
0x5f: {  	_ =	shalt  }
0x60: {  	_ =	shalt  }
0x61: {  	_ =	shalt  }
0x62: {  	_ =	shalt  }
0x63: {  	_ =	shalt  }
0x64: {  	_ =	shalt  }
0x65: {  	_ =	shalt  }
0x66: {  	_ =	shalt  }
0x67: {  	_ =	shalt  }
0x68: {  	_ =	shalt  }
0x69: {  	_ =	shalt  }
0x6a: {  	_ =	shalt  }
0x6b: {  	_ =	shalt  }
0x6c: {  	_ =	shalt  }
0x6d: {  	_ =	shalt  }
0x6e: {  	_ =	shalt  }
0x6f: {  	_ =	shalt  }
0x70: {  	_ =	shalt  }
0x71: {  	_ =	shalt  }
0x72: {  	_ =	shalt  }
0x73: {  	_ =	shalt  }
0x74: {  	_ =	shalt  }
0x75: {  	_ =	shalt  }
0x76: {  	_ =	shalt  }
0x77: {  	_ =	shalt  }
0x78: {  	_ =	shalt  }
0x79: {  	_ =	shalt  }
0x7a: {  	_ =	shalt  }
0x7b: {  	_ =	shalt  }
0x7c: {  	_ =	shalt  }
0x7d: {  	_ =	shalt  }
0x7e: {  	_ =	shalt  }
0x7f: {  	_ =	shalt  }
0x80: {  	_ =	shalt  }
0x81: {  	_ =	shalt  }
0x82: {  	_ =	shalt  }
0x83: {  	_ =	shalt  }
0x84: {  	_ =	shalt  }
0x85: {  	_ =	shalt  }
0x86: {  	_ =	shalt  }
0x87: {  	_ =	shalt  }
.Lfunc_end0:
.L_simem_size_0:
called_computation_lowered:
.L_overlay_start_0:
0x88: {  	s2 =	sld [smem:$0x3FD9]  }
0x89: {  	s3 =	sld [smem:$0x3FFE];
	_ =	sdelay $0x1  }
0x8a: {  	s1 =	srdreg.scid  }
0x8b: {  	s0 =	sand.u32 $0x1, s1  }
0x8c: {  	s17 =	sshll.u32 s0, $0xA;
	s2 =	sadd.s32 s3, s2  }
0x8d: {  	s2 =	sadd.s32 s2, s17  }
0x8e: {  	[smem:$0x3FC4] =	sst s2  }
0x8f: {  	_ = 	snop  }
0x90: {  	s2 =	sld [smem:$0x3FC8]  }
0x91: {  	s18 =	sld [smem:$0x3FC7]  }
0x92: {  	s4 =	sld [smem:$0x3FD0];
	(tm) =	ssettm $0x1  }
0x93: {  	s5 =	sld [smem:$0x3FFB];
	_ =	sdelay $0x3  }
0x94: {  	_ =	strace s5  }
0x95: {  	s5 =	sld [smem:$0x3FFC];
	_ =	sdelay $0x3  }
0x96: {  	_ =	strace s5  }
0x97: {  	s5 =	sld [smem:$0x3FFD];
	_ =	sdelay $0x3  }
0x98: {  	_ =	strace s5  }
0x99: {  	_ =	strace $0x8FFFFFFF  }
0x9a: {  	s19 =	sld [smem:$0x3FDB];
	_ =	sdelay $0x1  }
0x9b: {  	s6 =	simm.s32 $_scs_section_size  }
0x9c: {  	s7 =	simm.s32 $_size__tile_overlayer_lowered;
	s8 =	simm.s32 $_tile_overlayer_lowered  }
0x9d: {  	s22 =	simm.s32 $0x1BFF;
	s21 =	sshll.u32 s8, $0x1;
	s5 =	sadd.s32 s6, s19  }
0x9e: {  	s9 =	simm.s32 $0x0;
	s20 =	sshll.u32 s7, $0x1;
	s7 =	sadd.s32 s21, s5  }
0x9f: {  	[timem:s9], [sflag:s22] =	dma.local [hbm:s7], s20  }
0xa0: {  	_ =	swait.ge [sflag:s22], s20  }
0xa1: {  	s6 =	ssub.s32 $0x0, s20;
	[sflag:s22] =	ssyncset.done $0x0  }
0xa2: {  	[sflag:s22] =	ssyncadd.s32 s6;
	_ =	sdelay $0x1  }
0xa3: {  	s23 =	simm.s32 $0x1B8B  }
0xa4: {  	_ =	swait.ge [sflag:s23], $0x1  }
0xa5: {  	[sflag:s23] =	ssyncset.done $0x0  }
0xa6: {  	s25 =	simm.s32 $0x1B8E;
	s24 =	sld [smem:$0x3FFE];
	[sflag:s23] =	ssyncadd.s32 $0xFFFFFFFF  }
0xa7: {  	s26 =	simm.s32 $execute0_lowered;
	[smem:$0x3FD2] =	sst s25  }
0xa8: {  	s7 =	sshll.u32 s26, $0x1;
	_ =	strace $0x80000046;
	[dreg:$0x1] =	wrdreg $0xFFFFFFFF  }
0xa9: {  	s28 =	simm.s32 $_size_execute0_lowered;
	s5 =	sadd.s32 s5, s7;
	[dreg:$0x0] =	wrdreg $0x0  }
0xaa: {  	s7 =	sshll.u32 s28, $0x1;
	[dreg:$0x2] =	wrdreg s5  }
0xab: {  	[dreg:$0x3] =	wrdreg s7  }
0xac: {  	[dreg:$0x4] =	wrdreg $0xC0  }
0xad: {  	_ =	task [dreg:s9], $0x5FFFF  }
0xae: {  	[dreg:$0x1] =	wrdreg $0xFFFFFFFF  }
0xaf: {  	[dreg:$0x0] =	wrdreg $0x60  }
0xb0: {  	[dreg:$0x2] =	wrdreg s18  }
0xb1: {  	[dreg:$0x3] =	wrdreg s2  }
0xb2: {  	[dreg:$0x4] =	wrdreg s24  }
0xb3: {  	[dreg:$0x5] =	wrdreg s4  }
0xb4: {  	[dreg:$0x6] =	wrdreg $0x9  }
0xb5: {  	_ =	task.clear_ibuf [dreg:s9], $0x7FFFF;
	_ =	strace $0x90000046  }
0xb6: {  	s29 =	simm.s32 $0x9;
	_ =	strace $0x80000048  }
0xb7: {  	_ =	swait.ge [sflag:s29], $0x1  }
0xb8: {  	[sflag:s29] =	ssyncadd.s32 $0xFFFFFFFF  }
0xb9: {  	_ =	strace $0x90000048  }
0xba: {  	_ =	sfence  }
0xbb: {  	s30 =	sld [smem:$0x0];
	_ =	sdelay $0x2  }
0xbc: {  	s31 =	sshll.u32 s1, $0xD;
	s1 =	sshrl.u32 s1, $0x2  }
0xbd: {  	s3 =	sand.u32 $0x4000, s31;
	s1 =	sadd.s32 s1, s30  }
0xbe: {  	s0 =	sor.u32 s3, s0;
	s1 =	sshll.u32 s1, $0x11  }
0xbf: {  	s0 =	sor.u32 s1, s0  }
0xc0: {  	s0 =	sadd.s32 $0x8F2B, s0  }
0xc1: {  	[sflag:s0] =	ssyncadd.remote.s32 $0x1  }
0xc2: {  	_ =	sfence.sel $0xFFFF  }
0xc3: {  	[dreg:$0x0] =	wrdreg $0xFFFFFFFF;
	(pc) =	sbr.abs _section_cstart, $3  }
0xc4: {  	[dreg:$0x1] =	wrdreg $0xFFFFFFFF  }
0xc5: {  	_ =	task.clear_ibuf [dreg:s9], $0x2FFFF;
	_ =	strace $0x9FFFFFFF  }
0xc6: {  	(tm) =	ssettm $0x7FFFFFFF  }
0xc7: {  	_ =	shalt  }
tec
execute0_lowered:
.L_overlay_start_1:
0x0: {  	(tag) =	ssettag $0x1  }
0x1: {  	s4 =	rddreg [dreg:$0x0]  }
0x2: {  	s5 =	rddreg [dreg:$0x1]  }
0x3: {  	s3 =	rddreg [dreg:$0x2]  }
0x4: {  	s6 =	rddreg [dreg:$0x3]  }
0x5: {  	s0 =	rddreg [dreg:$0x4];
	s7 =	srdreg.scid  }
0x6: {  	s2 =	simm.s32 $0x0;
	s1 =	stileid.u32;
	s11 =	simm.s32 $0x3000  }
0x7: {  	s12 =	simm.s32 $0x3400;
	s13 =	simm.s32 $0x3480;
	s14 =	simm.s32 $0x0  }
0x8: {  	s7 =	sand.u32 $0x1, s7;
	[smem:$0x7FF] =	sst s2;
	s8 =	sshll.u32 s1, $0x9  }
0x9: {  	s3 =	sadd.s32 $0xA00, s3;
	s9 =	sshll.u32 s7, $0x8;
	s7 =	ssub.s32 $0x2, s7  }
0xa: {  	_ =	strace $0x80000047;
	s8 =	sor.u32 s9, s8;
	s31 =	sshrl.u32 s7, $0x1  }
0xb: {  	s9 =	simm.s32 $0x10000;
	s10 =	sshrl.u32 s8, $0x1;
	s7 =	ssub.s32 s7, s31  }
0xc: {  	s4 =	sadd.s32 s4, s8;
	s6 =	sadd.s32 s6, s8;
	s8 =	simm.s32 $0x800  }
0xd: {  	s5 =	sadd.s32 s5, s10;
	s7 =	smax.u32 s7, $0x1;
	s10 =	simm.s32 $0x1  }
.LBB2_1:
0xe: {  	[tilespmem:s2], [sflag:$0x1] =	stream.strided.gather [hbm4b:s4+s8], $0x3000, s9, s8, $0x38;
	[tilespmem:$0x4480] =	vst v63  }
0xf: {  	_ =	swait.ge [sflag:s10], $0x3000  }
0x10: {  	[sflag:s10] =	ssyncset.done $0x0  }
0x11: {  	[sflag:s10] =	ssyncadd.s32 $0xFFFFD000  }
0x12: {  	[tilespmem:s11], [sflag:$0x1] =	stream.linear.gather [hbm4b:s5+s2], $0x400, $0x38;
	[tilespmem:$0x4480] =	vst v63  }
0x13: {  	_ =	swait.ge [sflag:s10], $0x400  }
0x14: {  	[sflag:s10] =	ssyncset.done $0x0  }
0x15: {  	[sflag:s10] =	ssyncadd.s32 $0xFFFFFC00  }
0x16: {  	[tilespmem:s12], [sflag:$0x1] =	stream.linear.gather [hbm4b:s3+s2], $0x80, $0x38;
	[tilespmem:$0x4480] =	vst v63  }
0x17: {  	_ =	swait.ge [sflag:s10], $0x80  }
0x18: {  	[sflag:s10] =	ssyncset.done $0x0  }
0x19: {  	[sflag:s10] =	ssyncadd.s32 $0xFFFFFF80  }
0x1a: {  	s15 =	simm.s32 $0x0;
	s16 =	simm.s32 $0x0;
	v0 =	vld [tilespmem:$0x3400]  }
.LBB2_2:
0x1b: {  	s17 =	sshll.u32 s16, $0x7  }
0x1c: {  	s26 =	sand.u32 $0x70, s15;
	s17 =	sand.u32 $0xFFFFFC00, s17  }
0x1d: {  	s25 =	sadd.s32 s17, s15;
	s17 =	sor.u32 s26, s17  }
0x1e: {  	v1 =	vld [tilespmem:s17+$0x0];
	s22 =	sor.u32 $0x80, s25  }
0x1f: {  	v2 =	vld [tilespmem:s22+$0x0];
	_ =	sdelay $0x2  }
0x20: {  	v3 =	vld [tilespmem:s17+$0x100]  }
0x21: {  	s19 =	sor.u32 $0x180, s25;
	v1 =	vmul.f32 v1, v0  }
0x22: {  	v4 =	vld [tilespmem:s19+$0x0];
	v2 =	vmul.f32 v2, v0  }
0x23: {  	v1 =	vmul.f32 $1.442695020e+00, v1  }
0x24: {  	v2 =	vmul.f32 $1.442695020e+00, v2  }
0x25: {  	v5 =	vld [tilespmem:s17+$0x200];
	s20 =	sor.u32 $0x280, s25;
	(erf) = vpow2.f32 v1;
	v1 =	vmul.f32 v3, v0  }
0x26: {  	(erf) = vpow2.f32 v2;
	v2 =	vld [tilespmem:s20+$0x0]  }
0x27: {  	v3 =	vmul.f32 v4, v0;
	v1 =	vmul.f32 $1.442695020e+00, v1;
	_ =	sdelay $0x1  }
0x28: {  	v27 =	vld [tilespmem:s17+$0x300];
	s18 =	sor.u32 $0x380, s25;
	(erf) = vpow2.f32 v1;
	v1 =	vmul.f32 $1.442695020e+00, v3  }
0x29: {  	v26 =	vmul.f32 v5, v0;
	v3 =	vld [tilespmem:s18+$0x0]  }
0x2a: {  	(erf) = vpow2.f32 v1;
	v1 =	vmul.f32 v2, v0  }
0x2b: {  	s21 =	sor.u32 $0x800, s17;
	v4 =	vmul.f32 $1.442695020e+00, v26  }
0x2c: {  	v28 =	vld [tilespmem:s21+$0x0];
	s21 =	sor.u32 $0x880, s25;
	v2 =	vmul.f32 $1.442695020e+00, v1  }
0x2d: {  	v6 =	vld [tilespmem:s21+$0x0];
	v5 =	vmul.f32 v27, v0;
	(erf) = vpow2.f32 v4  }
0x2e: {  	v3 =	vmul.f32 v3, v0  }
0x2f: {  	v5 =	vmul.f32 $1.442695020e+00, v5;
	v1 =	vpop (erf);
	(erf) = vpow2.f32 v2  }
0x30: {  	s23 =	sor.u32 $0x900, s17;
	v7 =	vmul.f32 $1.442695020e+00, v3;
	v2 =	vpop (erf)  }
0x31: {  	v8 =	vld [tilespmem:s23+$0x0];
	v4 =	vmul.f32 v28, v0;
	(erf) = vpow2.f32 v5;
	v29 =	vadd.f32 v2, v1  }
0x32: {  	s29 =	sor.u32 $0x980, s25;
	v6 =	vmul.f32 v6, v0;
	v3 =	vpop (erf)  }
0x33: {  	s24 =	sor.u32 $0xA00, s17;
	v9 =	vld [tilespmem:s29+$0x0];
	v4 =	vmul.f32 $1.442695020e+00, v4;
	(erf) = vpow2.f32 v7;
	v5 =	vadd.f32 v3, v29  }
0x34: {  	v11 =	vld [tilespmem:s24+$0x0];
	v7 =	vpop (erf)  }
0x35: {  	v30 =	vmul.f32 $1.442695020e+00, v6;
	(erf) = vpow2.f32 v4;
	v5 =	vadd.f32 v7, v5  }
0x36: {  	s30 =	sor.u32 $0xA80, s25;
	v10 =	vmul.f32 v8, v0;
	v8 =	vpop (erf)  }
0x37: {  	s28 =	sor.u32 $0xB00, s17;
	v31 =	vld [tilespmem:s30+$0x0];
	(erf) = vpow2.f32 v30;
	v5 =	vadd.f32 v8, v5  }
0x38: {  	v33 =	vld [tilespmem:s28+$0x0];
	v32 =	vmul.f32 v9, v0;
	v10 =	vmul.f32 $1.442695020e+00, v10;
	v12 =	vpop (erf)  }
0x39: {  	v34 =	vmul.f32 v11, v0;
	v5 =	vadd.f32 v12, v5  }
0x3a: {  	s25 =	sor.u32 $0xB80, s25;
	v4 =	vmul.f32 $1.442695020e+00, v32;
	(erf) = vpow2.f32 v10;
	v14 =	vpop (erf)  }
0x3b: {  	v35 =	vld [tilespmem:s25+$0x0];
	v36 =	vmul.f32 $1.442695020e+00, v34;
	v5 =	vadd.f32 v14, v5  }
0x3c: {  	v6 =	vmul.f32 v31, v0;
	(erf) = vpow2.f32 v4;
	v13 =	vpop (erf)  }
0x3d: {  	v37 =	vmul.f32 v33, v0;
	v5 =	vadd.f32 v13, v5  }
0x3e: {  	v6 =	vmul.f32 $1.442695020e+00, v6;
	(erf) = vpow2.f32 v36;
	v15 =	vpop (erf)  }
0x3f: {  	v4 =	vmul.f32 $1.442695020e+00, v37;
	v5 =	vadd.f32 v15, v5  }
0x40: {  	v38 =	vmul.f32 v35, v0;
	(erf) = vpow2.f32 v6;
	v16 =	vpop (erf)  }
0x41: {  	v5 =	vadd.f32 v16, v5  }
0x42: {  	v6 =	vmul.f32 $1.442695020e+00, v38;
	(erf) = vpow2.f32 v4  }
0x43: {  	v4 =	vpop (erf)  }
0x44: {  	(erf) = vpow2.f32 v6;
	v39 =	vadd.f32 v4, v5  }
0x45: {  	v5 =	vpop (erf)  }
0x46: {  	v40 =	vadd.f32 v5, v39  }
0x47: {  	v6 =	vpop (erf)  }
0x48: {  	v17 =	vld [tilespmem:s17+$0x1000];
	v41 =	vadd.f32 v6, v40  }
0x49: {  	v18 =	vld [tilespmem:s17+$0x1080];
	v9 =	vpop (erf)  }
0x4a: {  	v20 =	vld [tilespmem:s17+$0x1100];
	v42 =	vadd.f32 v9, v41  }
0x4b: {  	v10 =	vpop (erf)  }
0x4c: {  	v21 =	vld [tilespmem:s17+$0x1180];
	v19 =	vadd.f32 v10, v42  }
0x4d: {  	v17 =	vmul.f32 v17, v0;
	v11 =	vpop (erf)  }
0x4e: {  	v22 =	vld [tilespmem:s17+$0x1200];
	v18 =	vmul.f32 v18, v0;
	v19 =	vadd.f32 v11, v19  }
0x4f: {  	v43 =	vmul.f32 v20, v0;
	v17 =	vmul.f32 $1.442695020e+00, v17  }
0x50: {  	v44 =	vld [tilespmem:s17+$0x1280];
	v18 =	vmul.f32 $1.442695020e+00, v18;
	(erf) = vrcp.f32 v19  }
0x51: {  	v45 =	vmul.f32 v21, v0;
	(erf) = vpow2.f32 v17  }
0x52: {  	v47 =	vld [tilespmem:s17+$0x1300];
	v17 =	vmul.f32 $1.442695020e+00, v43;
	(erf) = vpow2.f32 v18  }
0x53: {  	v46 =	vmul.f32 v22, v0  }
0x54: {  	v48 =	vmul.f32 $1.442695020e+00, v45;
	(erf) = vpow2.f32 v17  }
0x55: {  	v49 =	vld [tilespmem:s17+$0x1380];
	v50 =	vmul.f32 v44, v0  }
0x56: {  	v51 =	vld [tilespmem:s17+$0x1800];
	v20 =	vmul.f32 $1.442695020e+00, v46;
	(erf) = vpow2.f32 v48  }
0x57: {  	v52 =	vmul.f32 v47, v0  }
0x58: {  	v53 =	vld [tilespmem:s17+$0x1880];
	v17 =	vmul.f32 $1.442695020e+00, v50;
	(erf) = vpow2.f32 v20  }
0x59: {  	v54 =	vmul.f32 $1.442695020e+00, v52;
	v27 =	vpop (erf)  }
0x5a: {  	v19 =	vmul.f32 v49, v0;
	(erf) = vpow2.f32 v17;
	v23 =	vpop (erf)  }
0x5b: {  	v55 =	vld [tilespmem:s17+$0x1900];
	v56 =	vmul.f32 v51, v0;
	v24 =	vpop (erf)  }
0x5c: {  	v58 =	vld [tilespmem:s17+$0x1980];
	v19 =	vmul.f32 $1.442695020e+00, v19;
	(erf) = vpow2.f32 v54;
	v57 =	vadd.f32 v24, v23  }
0x5d: {  	v21 =	vmul.f32 v53, v0;
	v25 =	vpop (erf)  }
0x5e: {  	v59 =	vld [tilespmem:s17+$0x1A00];
	v17 =	vmul.f32 $1.442695020e+00, v56;
	(erf) = vpow2.f32 v19;
	v18 =	vadd.f32 v25, v57  }
0x5f: {  	v60 =	vmul.f32 $1.442695020e+00, v21;
	v26 =	vpop (erf)  }
0x60: {  	v61 =	vld [tilespmem:s17+$0x1A80];
	v20 =	vmul.f32 v55, v0;
	(erf) = vpow2.f32 v17;
	v18 =	vadd.f32 v26, v18  }
0x61: {  	v62 =	vmul.f32 v58, v0;
	v28 =	vpop (erf)  }
0x62: {  	v20 =	vmul.f32 $1.442695020e+00, v20;
	(erf) = vpow2.f32 v60;
	v18 =	vadd.f32 v28, v18  }
0x63: {  	v29 =	vmul.f32 v59, v0;
	v30 =	vpop (erf)  }
0x64: {  	v63 =	vld [tilespmem:s17+$0x1B00];
	v17 =	vmul.f32 $1.442695020e+00, v62;
	(erf) = vpow2.f32 v20;
	v18 =	vadd.f32 v30, v18  }
0x65: {  	v21 =	vmul.f32 v61, v0;
	v32 =	vpop (erf)  }
0x66: {  	v35 =	vld [tilespmem:s17+$0x1B80];
	v36 =	vmul.f32 $1.442695020e+00, v29;
	(erf) = vpow2.f32 v17;
	v18 =	vadd.f32 v32, v18  }
0x67: {  	v29 =	vpop (erf)  }
0x68: {  	v37 =	vmul.f32 $1.442695020e+00, v21;
	(erf) = vpow2.f32 v36;
	v18 =	vadd.f32 v29, v18  }
0x69: {  	v38 =	vmul.f32 v63, v0;
	v31 =	vpop (erf)  }
0x6a: {  	(erf) = vpow2.f32 v37;
	v18 =	vadd.f32 v31, v18  }
0x6b: {  	v39 =	vmul.f32 v35, v0;
	v17 =	vmul.f32 $1.442695020e+00, v38;
	v33 =	vpop (erf)  }
0x6c: {  	v18 =	vadd.f32 v33, v18  }
0x6d: {  	v40 =	vmul.f32 $1.442695020e+00, v39;
	(erf) = vpow2.f32 v17;
	v22 =	vpop (erf)  }
0x6e: {  	v41 =	vadd.f32 v22, v18  }
0x6f: {  	(erf) = vpow2.f32 v40;
	v21 =	vpop (erf)  }
0x70: {  	v17 =	vadd.f32 v21, v41  }
0x71: {  	v20 =	vpop (erf)  }
0x72: {  	v34 =	vld [tilespmem:s17+$0x2000];
	v17 =	vadd.f32 v20, v17  }
0x73: {  	v35 =	vld [tilespmem:s17+$0x2080];
	v19 =	vpop (erf)  }
0x74: {  	v17 =	vadd.f32 v19, v17;
	_ =	sdelay $0x1  }
0x75: {  	v37 =	vld [tilespmem:s17+$0x2100];
	v18 =	vpop (erf)  }
0x76: {  	v38 =	vld [tilespmem:s17+$0x2180];
	v36 =	vadd.f32 v18, v17  }
0x77: {  	v34 =	vmul.f32 v34, v0;
	v35 =	vmul.f32 v35, v0;
	v17 =	vpop (erf)  }
0x78: {  	v39 =	vld [tilespmem:s17+$0x2200];
	v36 =	vadd.f32 v17, v36  }
0x79: {  	v34 =	vmul.f32 $1.442695020e+00, v34;
	v35 =	vmul.f32 $1.442695020e+00, v35  }
0x7a: {  	v43 =	vld [tilespmem:s17+$0x2280];
	v42 =	vmul.f32 v37, v0;
	(erf) = vrcp.f32 v36  }
0x7b: {  	v44 =	vmul.f32 v38, v0;
	(erf) = vpow2.f32 v34  }
0x7c: {  	v46 =	vld [tilespmem:s17+$0x2300];
	v34 =	vmul.f32 $1.442695020e+00, v42;
	(erf) = vpow2.f32 v35  }
0x7d: {  	v45 =	vmul.f32 v39, v0  }
0x7e: {  	v47 =	vmul.f32 $1.442695020e+00, v44;
	(erf) = vpow2.f32 v34  }
0x7f: {  	v48 =	vld [tilespmem:s17+$0x2380];
	v49 =	vmul.f32 v43, v0  }
0x80: {  	v50 =	vld [tilespmem:s17+$0x2800];
	v37 =	vmul.f32 $1.442695020e+00, v45;
	(erf) = vpow2.f32 v47  }
0x81: {  	v51 =	vmul.f32 v46, v0  }
0x82: {  	v52 =	vld [tilespmem:s17+$0x2880];
	v34 =	vmul.f32 $1.442695020e+00, v49;
	(erf) = vpow2.f32 v37  }
0x83: {  	v53 =	vmul.f32 $1.442695020e+00, v51;
	v38 =	vpop (erf)  }
0x84: {  	v36 =	vmul.f32 v48, v0;
	(erf) = vpow2.f32 v34;
	v40 =	vpop (erf)  }
0x85: {  	v55 =	vmul.f32 v50, v0;
	v41 =	vpop (erf)  }
0x86: {  	v54 =	vld [tilespmem:s17+$0x2900];
	v36 =	vmul.f32 $1.442695020e+00, v36;
	(erf) = vpow2.f32 v53;
	v56 =	vadd.f32 v41, v40  }
0x87: {  	v39 =	vmul.f32 v52, v0;
	v57 =	vld [tilespmem:s17+$0x2980];
	v42 =	vpop (erf)  }
0x88: {  	v44 =	vld [tilespmem:s17+$0x2A00];
	v34 =	vmul.f32 $1.442695020e+00, v55;
	(erf) = vpow2.f32 v36;
	v35 =	vadd.f32 v42, v56  }
0x89: {  	v43 =	vpop (erf)  }
0x8a: {  	v58 =	vmul.f32 $1.442695020e+00, v39;
	(erf) = vpow2.f32 v34;
	v35 =	vadd.f32 v43, v35  }
0x8b: {  	v59 =	vld [tilespmem:s17+$0x2A80];
	v37 =	vmul.f32 v54, v0;
	v45 =	vpop (erf)  }
0x8c: {  	v60 =	vmul.f32 v57, v0;
	(erf) = vpow2.f32 v58;
	v35 =	vadd.f32 v45, v35  }
0x8d: {  	v61 =	vld [tilespmem:s17+$0x2B00];
	v44 =	vmul.f32 v44, v0;
	v37 =	vmul.f32 $1.442695020e+00, v37;
	v36 =	vpop (erf)  }
0x8e: {  	v35 =	vadd.f32 v36, v35  }
0x8f: {  	v47 =	vld [tilespmem:s17+$0x2B80];
	v34 =	vmul.f32 $1.442695020e+00, v60;
	(erf) = vpow2.f32 v37;
	v46 =	vpop (erf)  }
0x90: {  	v39 =	vmul.f32 v59, v0;
	v35 =	vadd.f32 v46, v35  }
0x91: {  	v62 =	vmul.f32 $1.442695020e+00, v44;
	(erf) = vpow2.f32 v34;
	v44 =	vpop (erf)  }
0x92: {  	v63 =	vmul.f32 v61, v0;
	v35 =	vadd.f32 v44, v35  }
0x93: {  	s31 =	sshll.u32 s16, $0x6;
	v39 =	vmul.f32 $1.442695020e+00, v39;
	(erf) = vpow2.f32 v62;
	v37 =	vpop (erf)  }
0x94: {  	s28 =	sand.u32 $0x3FFFFE00, s31;
	v48 =	vmul.f32 v47, v0;
	v35 =	vadd.f32 v37, v35  }
0x95: {  	s26 =	sor.u32 s26, s28;
	v34 =	vmul.f32 $1.442695020e+00, v63;
	(erf) = vpow2.f32 v39;
	v47 =	vpop (erf)  }
0x96: {  	v51 =	vld [tilespmem:s26+$0x3080];
	v35 =	vadd.f32 v47, v35  }
0x97: {  	v49 =	vmul.f32 $1.442695020e+00, v48;
	(erf) = vpow2.f32 v34  }
0x98: {  	v39 =	vpop (erf)  }
0x99: {  	(erf) = vpow2.f32 v49;
	v50 =	vadd.f32 v39, v35  }
0x9a: {  	v35 =	vpop (erf)  }
0x9b: {  	v38 =	vmul.f32 v38, v51;
	v34 =	vadd.f32 v35, v50  }
0x9c: {  	v49 =	vld [tilespmem:s26+$0x3000];
	v48 =	vpop (erf)  }
0x9d: {  	v23 =	vmul.f32 v38, v23;
	v34 =	vadd.f32 v48, v34  }
0x9e: {  	v24 =	vmul.f32 v38, v24;
	v51 =	vmul.f32 v38, v25;
	v50 =	vpop (erf)  }
0x9f: {  	v53 =	vmul.f32 v38, v26;
	v55 =	vmul.f32 v38, v28;
	v34 =	vadd.f32 v50, v34  }
0xa0: {  	v57 =	vmul.f32 v38, v32;
	v59 =	vmul.f32 v38, v29;
	v52 =	vpop (erf)  }
0xa1: {  	v60 =	vmul.f32 v38, v31;
	v27 =	vmul.f32 v27, v49;
	v34 =	vadd.f32 v52, v34  }
0xa2: {  	v61 =	vmul.f32 v38, v33;
	v32 =	vmul.f32 v38, v22;
	v49 =	vpop (erf)  }
0xa3: {  	v1 =	vmul.f32 v27, v1;
	v2 =	vmul.f32 v27, v2;
	v34 =	vadd.f32 v49, v34  }
0xa4: {  	v3 =	vmul.f32 v27, v3;
	v7 =	vmul.f32 v27, v7  }
0xa5: {  	v8 =	vmul.f32 v27, v8;
	(erf) = vrcp.f32 v34  }
0xa6: {  	v12 =	vmul.f32 v27, v12;
	v14 =	vmul.f32 v27, v14  }
0xa7: {  	v13 =	vmul.f32 v27, v13;
	v15 =	vmul.f32 v27, v15;
	v1 =	vadd.f32 $0.0e+00, v1  }
0xa8: {  	v16 =	vmul.f32 v27, v16;
	v2 =	vadd.f32 $0.0e+00, v2;
	v3 =	vadd.f32 $0.0e+00, v3  }
0xa9: {  	v4 =	vmul.f32 v27, v4;
	v7 =	vadd.f32 $0.0e+00, v7;
	v8 =	vadd.f32 $0.0e+00, v8  }
0xaa: {  	v54 =	vld [tilespmem:s26+$0x3100];
	v5 =	vmul.f32 v27, v5;
	v12 =	vadd.f32 $0.0e+00, v12;
	v14 =	vadd.f32 $0.0e+00, v14  }
0xab: {  	v6 =	vmul.f32 v27, v6;
	v13 =	vadd.f32 $0.0e+00, v13;
	v15 =	vadd.f32 $0.0e+00, v15  }
0xac: {  	v9 =	vmul.f32 v27, v9;
	v16 =	vadd.f32 $0.0e+00, v16;
	v4 =	vadd.f32 $0.0e+00, v4  }
0xad: {  	v56 =	vmul.f32 v38, v30;
	v5 =	vadd.f32 $0.0e+00, v5;
	v6 =	vadd.f32 $0.0e+00, v6  }
0xae: {  	v10 =	vmul.f32 v27, v10;
	v9 =	vadd.f32 $0.0e+00, v9;
	v1 =	vadd.f32 v23, v1;
	v58 =	vpop (erf)  }
0xaf: {  	v2 =	vadd.f32 v24, v2;
	v3 =	vadd.f32 v51, v3;
	v23 =	vmul.f32 v58, v54  }
0xb0: {  	v11 =	vmul.f32 v27, v11;
	v7 =	vadd.f32 v53, v7;
	v8 =	vadd.f32 v55, v8  }
0xb1: {  	v12 =	vadd.f32 v56, v12;
	v14 =	vadd.f32 v57, v14;
	v62 =	vmul.f32 v23, v40  }
0xb2: {  	v13 =	vadd.f32 v59, v13;
	v15 =	vadd.f32 v60, v15;
	v63 =	vmul.f32 v23, v41  }
0xb3: {  	v16 =	vadd.f32 v61, v16;
	v30 =	vmul.f32 v23, v42;
	v1 =	vadd.f32 v62, v1  }
0xb4: {  	v4 =	vadd.f32 v32, v4;
	v31 =	vmul.f32 v23, v43;
	v2 =	vadd.f32 v63, v2  }
0xb5: {  	v57 =	vmul.f32 v38, v18;
	v33 =	vmul.f32 v23, v45;
	v3 =	vadd.f32 v30, v3;
	[tilespmem:s17+$0x3480] =	vst v1  }
0xb6: {  	v59 =	vmul.f32 v38, v17;
	v40 =	vmul.f32 v23, v36;
	v7 =	vadd.f32 v31, v7;
	[tilespmem:s22+$0x3480] =	vst v2  }
0xb7: {  	v34 =	vmul.f32 v38, v21;
	v41 =	vmul.f32 v23, v46;
	v8 =	vadd.f32 v33, v8;
	[tilespmem:s17+$0x3580] =	vst v3  }
0xb8: {  	v43 =	vmul.f32 v23, v44;
	v44 =	vmul.f32 v38, v20;
	v42 =	vadd.f32 v40, v12;
	[tilespmem:s19+$0x3480] =	vst v7  }
0xb9: {  	v45 =	vmul.f32 v23, v37;
	v1 =	vadd.f32 $0.0e+00, v10;
	v10 =	vadd.f32 v41, v14;
	[tilespmem:s17+$0x3680] =	vst v8  }
0xba: {  	v47 =	vmul.f32 v23, v47;
	v2 =	vadd.f32 $0.0e+00, v11;
	v11 =	vadd.f32 v43, v13;
	[tilespmem:s20+$0x3480] =	vst v42  }
0xbb: {  	v46 =	vmul.f32 v38, v19;
	v54 =	vmul.f32 v23, v39;
	v53 =	vadd.f32 v45, v15;
	[tilespmem:s17+$0x3780] =	vst v10  }
0xbc: {  	v56 =	vmul.f32 v23, v35;
	v55 =	vadd.f32 v47, v16;
	v3 =	vadd.f32 v34, v5;
	[tilespmem:s18+$0x3480] =	vst v11  }
0xbd: {  	v58 =	vmul.f32 v23, v48;
	v51 =	vadd.f32 v44, v6;
	v4 =	vadd.f32 v54, v4;
	[tilespmem:s17+$0x3C80] =	vst v53  }
0xbe: {  	v60 =	vmul.f32 v23, v50;
	v8 =	vadd.f32 v46, v9;
	v3 =	vadd.f32 v56, v3;
	[tilespmem:s21+$0x3480] =	vst v55  }
0xbf: {  	p0 =	sne.s32 s16, $0xF;
	v61 =	vmul.f32 v23, v52;
	v1 =	vadd.f32 v57, v1;
	v5 =	vadd.f32 v58, v51;
	[tilespmem:s17+$0x3D80] =	vst v4  }
.Ltmp0:
0xc0: {  	v63 =	vmul.f32 v23, v49;
	v2 =	vadd.f32 v59, v2;
	v62 =	vadd.f32 v60, v8;
	[tilespmem:s29+$0x3480] =	vst v3;
	(pc) =	sbr.rel @p0 .LBB2_2-.Ltmp0, $4  }
0xc1: {  	v1 =	vadd.f32 v61, v1;
	[tilespmem:s17+$0x3E80] =	vst v5  }
0xc2: {  	v2 =	vadd.f32 v63, v2;
	[tilespmem:s30+$0x3480] =	vst v62  }
0xc3: {  	[tilespmem:s17+$0x3F80] =	vst v1  }
0xc4: {  	s16 =	sadd.s32 $0x1, s16;
	s15 =	sadd.s32 $0x10, s15;
	[tilespmem:s25+$0x3480] =	vst v2  }
0xc5: {  	s14 =	sadd.s32 $0x1, s14  }
0xc6: {  	p0 =	sne.s32 s14, s7  }
.Ltmp1:
0xc7: {  	_ = 	snop;
	(pc) =	sbr.rel @p0 .LBB2_1-.Ltmp1, $4  }
0xc8: {  	[hbm4b:s6+s8] =	stream.strided.scatter [tilespmem:s13], [sflag:$0x1], $0x1000, s9, s8, $0x38;
	[tilespmem:$0x4480] =	vst v63  }
0xc9: {  	_ =	swait.ge [sflag:s10], $0x1000  }
0xca: {  	[sflag:s10] =	ssyncset.done $0x0  }
0xcb: {  	[sflag:s10] =	ssyncadd.s32 $0xFFFFF000  }
0xcc: {  	_ =	sfence.sel $0x180000  }
0xcd: {  	[bflag:$0x0] =	sbarrier.arrive $0xFFFF  }
0xce: {  	p0 =	sne.s32 s1, $0x0;
	_ =	strace $0x90000047  }
0xcf: {  	s0 =	sadd.s32 @!p0 $0x100000, s0;
	[bflag:$0x2] =	sbarrier.arrive $0xFFFF  }
0xd0: {  	[sflag:s0] =	ssyncadd.tile.s32 @!p0 $0x1;
	_ =	shalt  }
.Lfunc_end2:
_tile_overlayer_lowered:
.L_overlay_start_2:
0xd1: {  	(tag) =	ssettag $0x2  }
0xd2: {  	s0 =	rddreg [dreg:$0x0];
	s2 =	stileid.u32  }
0xd3: {  	s1 =	rddreg [dreg:$0x1];
	p0 =	sne.s32 s2, $0x0  }
0xd4: {  	s3 =	rddreg [dreg:$0x2];
	[bflag:$0x3] =	sbarrier.arrive $0xFFFF;
	s2 =	simm.s32 @!p0 $0x1C01  }
0xd5: {  	[timem:s3], [sflag:s2] =	dma.local @!p0 [hbm:s0], s1  }
0xd6: {  	s0 =	simm.s32 @!p0 $0x1  }
0xd7: {  	_ =	swait.ge @!p0 [sflag:s0], s1  }
0xd8: {  	s1 =	ssub.s32 @!p0 $0x0, s1;
	[sflag:s0] =	ssyncset.done @!p0 $0x0  }
0xd9: {  	[sflag:s0] =	ssyncadd.s32 @!p0 s1  }
0xda: {  	[bflag:$0x3] =	sbarrier.arrive $0xFFFF  }
0xdb: {  	_ =	shalt  }

</sc_bundles>
